<compile_context>
chip_gen: v7x
topology: tpu7x:2x2x1
jax: 0.10.2.dev20260603
libtpu: 0.0.44.dev20260713+nightly
codegen_flags: <defaults>
</compile_context>

<pallas_src>
import functools

import jax
import jax.numpy as jnp
from jax import lax
from jax.experimental import pallas as pl
from jax.experimental.pallas import tpu as pltpu
from jax.experimental.pallas import tpu_sc as plsc

N = 10000
F = 128
E = 320000
NC = 2
NS = 16
CHUNK = 128
CH_PER_TILE = 80
HALF = CH_PER_TILE // 2
EDGES_PER_TILE = CHUNK * CH_PER_TILE
E_PAD = EDGES_PER_TILE * NC * NS
ACC_ROWS = 10112
RPT = ACC_ROWS // NS


def _sc_aggregate(table, src, dst, zeros):
    mesh = plsc.VectorSubcoreMesh(core_axis_name="c", subcore_axis_name="s")

    @functools.partial(
        pl.kernel,
        mesh=mesh,
        out_type=jax.ShapeDtypeStruct((NC, N, F), jnp.float32),
        scratch_types=[
            pltpu.VMEM_SHARED((ACC_ROWS, F), jnp.float32),
            pltpu.VMEM((HALF, CHUNK), jnp.int32),
            pltpu.VMEM((HALF, CHUNK), jnp.int32),
            pltpu.VMEM((CHUNK, F), jnp.float32),
            pltpu.VMEM((CHUNK, F), jnp.float32),
            pltpu.SemaphoreType.DMA,
            pltpu.SemaphoreType.DMA,
        ],
    )
    def agg(table_hbm, src_hbm, dst_hbm, zeros_hbm, parts_hbm,
            acc, src_v, dst_v, rows0, rows1, sem0, sem1):
        cid = lax.axis_index("c")
        sid = lax.axis_index("s")
        wid = cid * NS + sid

        pltpu.sync_copy(zeros_hbm, acc.at[pl.ds(sid * RPT, RPT)])
        plsc.subcore_barrier()

        for h in range(CH_PER_TILE // HALF):
            pltpu.sync_copy(src_hbm.at[wid, pl.ds(h * HALF, HALF)], src_v)
            pltpu.sync_copy(dst_hbm.at[wid, pl.ds(h * HALF, HALF)], dst_v)
            pltpu.async_copy(table_hbm.at[src_v.at[0]], rows0, sem0)
            pltpu.async_copy(table_hbm.at[src_v.at[1]], rows1, sem1)

            def body(jj, carry):
                j = 2 * jj
                pltpu.make_async_copy(table_hbm.at[src_v.at[j]], rows0, sem0).wait()
                pltpu.sync_copy(rows0, acc.at[dst_v.at[j]], add=True)
                pltpu.async_copy(table_hbm.at[src_v.at[j + 2]], rows0, sem0)
                pltpu.make_async_copy(table_hbm.at[src_v.at[j + 1]], rows1, sem1).wait()
                pltpu.sync_copy(rows1, acc.at[dst_v.at[j + 1]], add=True)
                pltpu.async_copy(table_hbm.at[src_v.at[j + 3]], rows1, sem1)
                return carry

            lax.fori_loop(0, (HALF - 2) // 2, body, 0)
            last = HALF - 2
            pltpu.make_async_copy(table_hbm.at[src_v.at[last]], rows0, sem0).wait()
            pltpu.sync_copy(rows0, acc.at[dst_v.at[last]], add=True)
            pltpu.make_async_copy(table_hbm.at[src_v.at[last + 1]], rows1, sem1).wait()
            pltpu.sync_copy(rows1, acc.at[dst_v.at[last + 1]], add=True)
        plsc.subcore_barrier()

        row0 = sid * RPT

        @pl.when(sid < NS - 1)
        def _():
            pltpu.sync_copy(acc.at[pl.ds(row0, RPT)],
                            parts_hbm.at[cid, pl.ds(row0, RPT)])

        @pl.when(sid == NS - 1)
        def _():
            last = N - (NS - 1) * RPT
            pltpu.sync_copy(acc.at[pl.ds(row0, last)],
                            parts_hbm.at[cid, pl.ds(row0, last)])

    return agg(table, src, dst, zeros)


BLK = 1000


def _tc_mlp(x, parts, eps, wa, ba, wb, bb, final_relu):
    scale = jnp.reshape(1.0 + eps, (1, 1)).astype(jnp.float32)
    ba2 = ba.reshape(1, F)
    bb2 = bb.reshape(1, F)

    def body(x_ref, p_ref, s_ref, wa_ref, ba_ref, wb_ref, bb_ref, o_ref):
        h = s_ref[0, 0] * x_ref[...] + p_ref[0] + p_ref[1]
        t = jnp.dot(h, wa_ref[...], preferred_element_type=jnp.float32)
        t = jnp.maximum(t + ba_ref[...], 0.0)
        t = jnp.dot(t, wb_ref[...], preferred_element_type=jnp.float32)
        t = t + bb_ref[...]
        if final_relu:
            t = jnp.maximum(t, 0.0)
        o_ref[...] = t

    return pl.pallas_call(
        body,
        grid=(N // BLK,),
        in_specs=[
            pl.BlockSpec((BLK, F), lambda i: (i, 0)),
            pl.BlockSpec((NC, BLK, F), lambda i: (0, i, 0)),
            pl.BlockSpec((1, 1), lambda i: (0, 0)),
            pl.BlockSpec((F, F), lambda i: (0, 0)),
            pl.BlockSpec((1, F), lambda i: (0, 0)),
            pl.BlockSpec((F, F), lambda i: (0, 0)),
            pl.BlockSpec((1, F), lambda i: (0, 0)),
        ],
        out_specs=pl.BlockSpec((BLK, F), lambda i: (i, 0)),
        out_shape=jax.ShapeDtypeStruct((N, F), jnp.float32),
    )(x, parts, scale, wa, ba2, wb, bb2)


def kernel(x, edge_index, eps1, w1a, b1a, w1b, b1b, eps2, w2a, b2a, w2b, b2b):
    src = edge_index[0]
    dst = edge_index[1]
    pad = E_PAD - E
    src_p = jnp.concatenate([src, jnp.zeros((pad,), jnp.int32)])
    dst_p = jnp.concatenate([dst, jnp.full((pad,), N, jnp.int32)])
    src_p = src_p.reshape(NC * NS, CH_PER_TILE, CHUNK)
    dst_p = dst_p.reshape(NC * NS, CH_PER_TILE, CHUNK)
    zeros = jnp.zeros((RPT, F), jnp.float32)

    parts1 = _sc_aggregate(x, src_p, dst_p, zeros)
    h1 = _tc_mlp(x, parts1, eps1, w1a, b1a, w1b, b1b, final_relu=True)
    parts2 = _sc_aggregate(h1, src_p, dst_p, zeros)
    out = _tc_mlp(h1, parts2, eps2, w2a, b2a, w2b, b2b, final_relu=False)
    return out

# --- scband reference (transcript-rebuilt; emitter-appended) ---
"""Pipeline reference for scband-ginmodel-59193239273690 (READ-ONLY COPY).

The authoritative reference and input builder live on the scoring server;
editing this copy changes nothing except your own understanding.
"""

import jax, jax.numpy as jnp
import numpy as np

N = 10000
E = 320000
IN_CH = 128
HIDDEN = 128
OUT_CH = 128


def _linear_init(key, fan_in, fan_out):
    k1, k2 = jax.random.split(key)
    s = 1.0 / np.sqrt(fan_in)
    W = jax.random.uniform(k1, (fan_in, fan_out), minval=-s, maxval=s, dtype=jnp.float32)
    b = jax.random.uniform(k2, (fan_out,), minval=-s, maxval=s, dtype=jnp.float32)
    return W, b


def setup_inputs(seed: int = 0) -> dict:
    key = jax.random.key(seed)
    ks = jax.random.split(key, 8)
    x = jax.random.normal(ks[0], (N, IN_CH), dtype=jnp.float32)
    edge_index = jax.random.randint(ks[1], (2, E), 0, N, dtype=jnp.int32)
    w1a, b1a = _linear_init(ks[2], IN_CH, HIDDEN)
    w1b, b1b = _linear_init(ks[3], HIDDEN, HIDDEN)
    w2a, b2a = _linear_init(ks[4], HIDDEN, HIDDEN)
    w2b, b2b = _linear_init(ks[5], HIDDEN, OUT_CH)
    eps1 = jnp.zeros((), dtype=jnp.float32)
    eps2 = jnp.zeros((), dtype=jnp.float32)
    return {"x": x, "edge_index": edge_index, "eps1": eps1, "w1a": w1a, "b1a": b1a,
            "w1b": w1b, "b1b": b1b, "eps2": eps2, "w2a": w2a, "b2a": b2a,
            "w2b": w2b, "b2b": b2b}


def reference(x, edge_index, eps1, w1a, b1a, w1b, b1b, eps2, w2a, b2a, w2b, b2b):
    src = edge_index[0]
    dst = edge_index[1]
    n = x.shape[0]
    # GINConv layer 1: out = mlp1((1+eps)*x + sum_{j->i} x_j)
    agg1 = jax.ops.segment_sum(x[src], dst, num_segments=n)
    h = (1.0 + eps1) * x + agg1
    h = jnp.maximum(jnp.dot(h, w1a) + b1a, 0.0)
    h = jnp.dot(h, w1b) + b1b
    h1 = jnp.maximum(h, 0.0)  # F.relu between conv1 and conv2
    # GINConv layer 2
    agg2 = jax.ops.segment_sum(h1[src], dst, num_segments=n)
    g = (1.0 + eps2) * h1 + agg2
    g = jnp.maximum(jnp.dot(g, w2a) + b2a, 0.0)
    out = jnp.dot(g, w2b) + b2b
    return out

if __name__ == "__main__":
    import jax
    _d = setup_inputs()
    print(jax.jit(kernel)(*tuple(_d.values())))

</pallas_src>

<mosaic_0001>
#map = affine_map<(d0, d1) -> (0, 0)>
#map1 = affine_map<(d0, d1) -> (0, 0, 0)>
module attributes {stable_mosaic.version = 14 : i64} {
  func.func @agg(%arg0: i32, %arg1: i32, %arg2: memref<10000x128xf32, #tpu.memory_space<hbm>>, %arg3: memref<32x80x128xi32, #tpu.memory_space<hbm>>, %arg4: memref<32x80x128xi32, #tpu.memory_space<hbm>>, %arg5: memref<632x128xf32, #tpu.memory_space<hbm>>, %arg6: memref<2x10000x128xf32, #tpu.memory_space<hbm>>, %arg7: memref<10112x128xf32, #tpu.memory_space<vmem_shared>>, %arg8: memref<40x128xi32, #tpu.memory_space<vmem>>, %arg9: memref<40x128xi32, #tpu.memory_space<vmem>>, %arg10: memref<128x128xf32, #tpu.memory_space<vmem>>, %arg11: memref<128x128xf32, #tpu.memory_space<vmem>>, %arg12: memref<!tpu.dma_semaphore, #tpu.memory_space<semaphore_mem>>, %arg13: memref<!tpu.dma_semaphore, #tpu.memory_space<semaphore_mem>>) attributes {dimension_semantics = [#tpu.dimension_semantics<core_parallel>, #tpu.dimension_semantics<subcore_parallel>], iteration_bounds = array<i64: 2, 16>, scalar_prefetch = 0 : i64, scratch_operands = 7 : i64, tpu.core_type = #tpu.core_type<sc_vector_subcore>, window_params = [{transform_indices = #map}, {transform_indices = #map1}, {transform_indices = #map1}, {transform_indices = #map}, {transform_indices = #map1}]} {
    %mul3A = arith.constant 16 : i32
    %mul3A_0 = arith.muli %arg0, %mul3A : i32
    %add3A = arith.addi %mul3A_0, %arg1 : i32
    %mul3A_1 = arith.constant 632 : i32
    %mul3A_2 = arith.muli %arg1, %mul3A_1 : i32
    "tpu.region"() ({
      %run_scoped3A_80 = tpu.sem_alloc : memref<!tpu.dma_semaphore, #tpu.memory_space<semaphore_mem>>
      %dma_start3A_81 = arith.constant 0 : i32
      %dma_start3A_82 = tpu.memref_slice %arg7[%mul3A_2, %dma_start3A_81] : memref<10112x128xf32, #tpu.memory_space<vmem_shared>> -> memref<632x128xf32, #tpu.memory_space<vmem_shared>>
      tpu.enqueue_dma source(%arg5 : memref<632x128xf32, #tpu.memory_space<hbm>>) target(%dma_start3A_82 : memref<632x128xf32, #tpu.memory_space<vmem_shared>>) target_semaphore(%run_scoped3A_80 : memref<!tpu.dma_semaphore, #tpu.memory_space<semaphore_mem>>)
      %dma_wait3A_83 = arith.constant 0 : i32
      %dma_wait3A_84 = tpu.memref_slice %arg7[%mul3A_2, %dma_wait3A_83] : memref<10112x128xf32, #tpu.memory_space<vmem_shared>> -> memref<632x128xf32, #tpu.memory_space<vmem_shared>>
      tpu.wait_dma2 semaphore(%run_scoped3A_80 : memref<!tpu.dma_semaphore, #tpu.memory_space<semaphore_mem>>) src(%arg5 : memref<632x128xf32, #tpu.memory_space<hbm>>) dst(%dma_wait3A_84 : memref<632x128xf32, #tpu.memory_space<vmem_shared>>)
      tpu.yield
    }) : () -> ()
    %barrier3A = arith.constant 0 : index
    tpu.barrier barrier_id(%barrier3A)
    "tpu.region"() ({
      %run_scoped3A_80 = tpu.sem_alloc : memref<!tpu.dma_semaphore, #tpu.memory_space<semaphore_mem>>
      %dma_start3A_81 = arith.constant 0 : i32
      %dma_start3A_82 = arith.constant 0 : i32
      %dma_start3A_83 = tpu.memref_slice %arg3[%add3A, %dma_start3A_81, %dma_start3A_82] : memref<32x80x128xi32, #tpu.memory_space<hbm>> -> memref<1x40x128xi32, #tpu.memory_space<hbm>>
      %dma_start3A_84 = tpu.memref_squeeze %dma_start3A_83 : memref<1x40x128xi32, #tpu.memory_space<hbm>> -> memref<40x128xi32, #tpu.memory_space<hbm>>
      %dma_start3A_85 = arith.constant 0 : i32
      %dma_start3A_86 = arith.constant 0 : i32
      %dma_start3A_87 = tpu.memref_slice %arg3[%add3A, %dma_start3A_85, %dma_start3A_86] : memref<32x80x128xi32, #tpu.memory_space<hbm>> -> memref<1x40x128xi32, #tpu.memory_space<hbm>>
      %dma_start3A_88 = tpu.memref_squeeze %dma_start3A_87 : memref<1x40x128xi32, #tpu.memory_space<hbm>> -> memref<40x128xi32, #tpu.memory_space<hbm>>
      tpu.enqueue_dma source(%dma_start3A_88 : memref<40x128xi32, #tpu.memory_space<hbm>>) target(%arg8 : memref<40x128xi32, #tpu.memory_space<vmem>>) target_semaphore(%run_scoped3A_80 : memref<!tpu.dma_semaphore, #tpu.memory_space<semaphore_mem>>)
      %dma_wait3A_89 = arith.constant 0 : i32
      %dma_wait3A_90 = arith.constant 0 : i32
      %dma_wait3A_91 = tpu.memref_slice %arg3[%add3A, %dma_wait3A_89, %dma_wait3A_90] : memref<32x80x128xi32, #tpu.memory_space<hbm>> -> memref<1x40x128xi32, #tpu.memory_space<hbm>>
      %dma_wait3A_92 = tpu.memref_squeeze %dma_wait3A_91 : memref<1x40x128xi32, #tpu.memory_space<hbm>> -> memref<40x128xi32, #tpu.memory_space<hbm>>
      %dma_wait3A_93 = arith.constant 0 : i32
      %dma_wait3A_94 = arith.constant 0 : i32
      %dma_wait3A_95 = tpu.memref_slice %arg3[%add3A, %dma_wait3A_93, %dma_wait3A_94] : memref<32x80x128xi32, #tpu.memory_space<hbm>> -> memref<1x40x128xi32, #tpu.memory_space<hbm>>
      %dma_wait3A_96 = tpu.memref_squeeze %dma_wait3A_95 : memref<1x40x128xi32, #tpu.memory_space<hbm>> -> memref<40x128xi32, #tpu.memory_space<hbm>>
      tpu.wait_dma2 semaphore(%run_scoped3A_80 : memref<!tpu.dma_semaphore, #tpu.memory_space<semaphore_mem>>) src(%dma_wait3A_96 : memref<40x128xi32, #tpu.memory_space<hbm>>) dst(%arg8 : memref<40x128xi32, #tpu.memory_space<vmem>>)
      tpu.yield
    }) : () -> ()
    "tpu.region"() ({
      %run_scoped3A_80 = tpu.sem_alloc : memref<!tpu.dma_semaphore, #tpu.memory_space<semaphore_mem>>
      %dma_start3A_81 = arith.constant 0 : i32
      %dma_start3A_82 = arith.constant 0 : i32
      %dma_start3A_83 = tpu.memref_slice %arg4[%add3A, %dma_start3A_81, %dma_start3A_82] : memref<32x80x128xi32, #tpu.memory_space<hbm>> -> memref<1x40x128xi32, #tpu.memory_space<hbm>>
      %dma_start3A_84 = tpu.memref_squeeze %dma_start3A_83 : memref<1x40x128xi32, #tpu.memory_space<hbm>> -> memref<40x128xi32, #tpu.memory_space<hbm>>
      %dma_start3A_85 = arith.constant 0 : i32
      %dma_start3A_86 = arith.constant 0 : i32
      %dma_start3A_87 = tpu.memref_slice %arg4[%add3A, %dma_start3A_85, %dma_start3A_86] : memref<32x80x128xi32, #tpu.memory_space<hbm>> -> memref<1x40x128xi32, #tpu.memory_space<hbm>>
      %dma_start3A_88 = tpu.memref_squeeze %dma_start3A_87 : memref<1x40x128xi32, #tpu.memory_space<hbm>> -> memref<40x128xi32, #tpu.memory_space<hbm>>
      tpu.enqueue_dma source(%dma_start3A_88 : memref<40x128xi32, #tpu.memory_space<hbm>>) target(%arg9 : memref<40x128xi32, #tpu.memory_space<vmem>>) target_semaphore(%run_scoped3A_80 : memref<!tpu.dma_semaphore, #tpu.memory_space<semaphore_mem>>)
      %dma_wait3A_89 = arith.constant 0 : i32
      %dma_wait3A_90 = arith.constant 0 : i32
      %dma_wait3A_91 = tpu.memref_slice %arg4[%add3A, %dma_wait3A_89, %dma_wait3A_90] : memref<32x80x128xi32, #tpu.memory_space<hbm>> -> memref<1x40x128xi32, #tpu.memory_space<hbm>>
      %dma_wait3A_92 = tpu.memref_squeeze %dma_wait3A_91 : memref<1x40x128xi32, #tpu.memory_space<hbm>> -> memref<40x128xi32, #tpu.memory_space<hbm>>
      %dma_wait3A_93 = arith.constant 0 : i32
      %dma_wait3A_94 = arith.constant 0 : i32
      %dma_wait3A_95 = tpu.memref_slice %arg4[%add3A, %dma_wait3A_93, %dma_wait3A_94] : memref<32x80x128xi32, #tpu.memory_space<hbm>> -> memref<1x40x128xi32, #tpu.memory_space<hbm>>
      %dma_wait3A_96 = tpu.memref_squeeze %dma_wait3A_95 : memref<1x40x128xi32, #tpu.memory_space<hbm>> -> memref<40x128xi32, #tpu.memory_space<hbm>>
      tpu.wait_dma2 semaphore(%run_scoped3A_80 : memref<!tpu.dma_semaphore, #tpu.memory_space<semaphore_mem>>) src(%dma_wait3A_96 : memref<40x128xi32, #tpu.memory_space<hbm>>) dst(%arg9 : memref<40x128xi32, #tpu.memory_space<vmem>>)
      tpu.yield
    }) : () -> ()
    %dma_start3A = arith.constant 0 : i32
    %dma_start3A_3 = arith.constant 0 : i32
    %dma_start3A_4 = tpu.memref_slice %arg8[%dma_start3A, %dma_start3A_3] : memref<40x128xi32, #tpu.memory_space<vmem>> -> memref<1x128xi32, #tpu.memory_space<vmem>>
    %dma_start3A_5 = tpu.memref_squeeze %dma_start3A_4 : memref<1x128xi32, #tpu.memory_space<vmem>> -> memref<128xi32, #tpu.memory_space<vmem>>
    %dma_start3A_6 = arith.constant 0 : i32
    %dma_start3A_7 = arith.constant 0 : i32
    %dma_start3A_8 = tpu.memref_slice %arg2[%dma_start3A_6, %dma_start3A_7] : memref<10000x128xf32, #tpu.memory_space<hbm>> -> memref<10000x128xf32, #tpu.memory_space<hbm>>
    tpu.enqueue_indirect_dma source(%dma_start3A_8 : memref<10000x128xf32, #tpu.memory_space<hbm>>) target(%arg10 : memref<128x128xf32, #tpu.memory_space<vmem>>) offsets(%dma_start3A_5 : memref<128xi32, #tpu.memory_space<vmem>>) semaphore(%arg12 : memref<!tpu.dma_semaphore, #tpu.memory_space<semaphore_mem>>)
    %dma_start3A_9 = arith.constant 1 : i32
    %dma_start3A_10 = arith.constant 0 : i32
    %dma_start3A_11 = tpu.memref_slice %arg8[%dma_start3A_9, %dma_start3A_10] : memref<40x128xi32, #tpu.memory_space<vmem>> -> memref<1x128xi32, #tpu.memory_space<vmem>>
    %dma_start3A_12 = tpu.memref_squeeze %dma_start3A_11 : memref<1x128xi32, #tpu.memory_space<vmem>> -> memref<128xi32, #tpu.memory_space<vmem>>
    %dma_start3A_13 = arith.constant 0 : i32
    %dma_start3A_14 = arith.constant 0 : i32
    %dma_start3A_15 = tpu.memref_slice %arg2[%dma_start3A_13, %dma_start3A_14] : memref<10000x128xf32, #tpu.memory_space<hbm>> -> memref<10000x128xf32, #tpu.memory_space<hbm>>
    tpu.enqueue_indirect_dma source(%dma_start3A_15 : memref<10000x128xf32, #tpu.memory_space<hbm>>) target(%arg11 : memref<128x128xf32, #tpu.memory_space<vmem>>) offsets(%dma_start3A_12 : memref<128xi32, #tpu.memory_space<vmem>>) semaphore(%arg13 : memref<!tpu.dma_semaphore, #tpu.memory_space<semaphore_mem>>)
    %scan3A = arith.constant 0 : i32
    %scan3A_16 = arith.constant 0 : i32
    %scan3A_17 = arith.constant 19 : i32
    %scan3A_18 = arith.addi %scan3A_16, %scan3A_17 : i32
    %scan3A_19 = arith.constant 1 : i32
    scf.for %scan3A_80 = %scan3A_16 to %scan3A_18 step %scan3A_19  : i32 {
      %mul3A_81 = arith.constant 2 : i32
      %mul3A_82 = arith.muli %mul3A_81, %scan3A_80 : i32
      %dma_wait3A_83 = arith.constant 0 : i32
      %dma_wait3A_84 = tpu.memref_slice %arg8[%mul3A_82, %dma_wait3A_83] : memref<40x128xi32, #tpu.memory_space<vmem>> -> memref<1x128xi32, #tpu.memory_space<vmem>>
      %dma_wait3A_85 = tpu.memref_squeeze %dma_wait3A_84 : memref<1x128xi32, #tpu.memory_space<vmem>> -> memref<128xi32, #tpu.memory_space<vmem>>
      %dma_wait3A_86 = arith.constant 0 : i32
      %dma_wait3A_87 = arith.constant 0 : i32
      %dma_wait3A_88 = tpu.memref_slice %arg2[%dma_wait3A_86, %dma_wait3A_87] : memref<10000x128xf32, #tpu.memory_space<hbm>> -> memref<10000x128xf32, #tpu.memory_space<hbm>>
      tpu.wait_indirect_dma semaphore(%arg12 : memref<!tpu.dma_semaphore, #tpu.memory_space<semaphore_mem>>) src(%dma_wait3A_88 : memref<10000x128xf32, #tpu.memory_space<hbm>>) dst(%arg10 : memref<128x128xf32, #tpu.memory_space<vmem>>)
      "tpu.region"() ({
        %run_scoped3A_115 = tpu.sem_alloc : memref<!tpu.dma_semaphore, #tpu.memory_space<semaphore_mem>>
        %dma_start3A_116 = arith.constant 0 : i32
        %dma_start3A_117 = tpu.memref_slice %arg9[%mul3A_82, %dma_start3A_116] : memref<40x128xi32, #tpu.memory_space<vmem>> -> memref<1x128xi32, #tpu.memory_space<vmem>>
        %dma_start3A_118 = tpu.memref_squeeze %dma_start3A_117 : memref<1x128xi32, #tpu.memory_space<vmem>> -> memref<128xi32, #tpu.memory_space<vmem>>
        %dma_start3A_119 = arith.constant 0 : i32
        %dma_start3A_120 = arith.constant 0 : i32
        %dma_start3A_121 = tpu.memref_slice %arg7[%dma_start3A_119, %dma_start3A_120] : memref<10112x128xf32, #tpu.memory_space<vmem_shared>> -> memref<10112x128xf32, #tpu.memory_space<vmem_shared>>
        tpu.enqueue_indirect_dma source(%arg10 : memref<128x128xf32, #tpu.memory_space<vmem>>) target(%dma_start3A_121 : memref<10112x128xf32, #tpu.memory_space<vmem_shared>>) offsets(%dma_start3A_118 : memref<128xi32, #tpu.memory_space<vmem>>) semaphore(%run_scoped3A_115 : memref<!tpu.dma_semaphore, #tpu.memory_space<semaphore_mem>>) {add = true}
        %dma_wait3A_122 = arith.constant 0 : i32
        %dma_wait3A_123 = tpu.memref_slice %arg9[%mul3A_82, %dma_wait3A_122] : memref<40x128xi32, #tpu.memory_space<vmem>> -> memref<1x128xi32, #tpu.memory_space<vmem>>
        %dma_wait3A_124 = tpu.memref_squeeze %dma_wait3A_123 : memref<1x128xi32, #tpu.memory_space<vmem>> -> memref<128xi32, #tpu.memory_space<vmem>>
        %dma_wait3A_125 = arith.constant 0 : i32
        %dma_wait3A_126 = arith.constant 0 : i32
        %dma_wait3A_127 = tpu.memref_slice %arg7[%dma_wait3A_125, %dma_wait3A_126] : memref<10112x128xf32, #tpu.memory_space<vmem_shared>> -> memref<10112x128xf32, #tpu.memory_space<vmem_shared>>
        tpu.wait_indirect_dma semaphore(%run_scoped3A_115 : memref<!tpu.dma_semaphore, #tpu.memory_space<semaphore_mem>>) src(%arg10 : memref<128x128xf32, #tpu.memory_space<vmem>>) dst(%dma_wait3A_127 : memref<10112x128xf32, #tpu.memory_space<vmem_shared>>)
        tpu.yield
      }) : () -> ()
      %add3A_89 = arith.constant 2 : i32
      %add3A_90 = arith.addi %mul3A_82, %add3A_89 : i32
      %dma_start3A_91 = arith.constant 0 : i32
      %dma_start3A_92 = tpu.memref_slice %arg8[%add3A_90, %dma_start3A_91] : memref<40x128xi32, #tpu.memory_space<vmem>> -> memref<1x128xi32, #tpu.memory_space<vmem>>
      %dma_start3A_93 = tpu.memref_squeeze %dma_start3A_92 : memref<1x128xi32, #tpu.memory_space<vmem>> -> memref<128xi32, #tpu.memory_space<vmem>>
      %dma_start3A_94 = arith.constant 0 : i32
      %dma_start3A_95 = arith.constant 0 : i32
      %dma_start3A_96 = tpu.memref_slice %arg2[%dma_start3A_94, %dma_start3A_95] : memref<10000x128xf32, #tpu.memory_space<hbm>> -> memref<10000x128xf32, #tpu.memory_space<hbm>>
      tpu.enqueue_indirect_dma source(%dma_start3A_96 : memref<10000x128xf32, #tpu.memory_space<hbm>>) target(%arg10 : memref<128x128xf32, #tpu.memory_space<vmem>>) offsets(%dma_start3A_93 : memref<128xi32, #tpu.memory_space<vmem>>) semaphore(%arg12 : memref<!tpu.dma_semaphore, #tpu.memory_space<semaphore_mem>>)
      %add3A_97 = arith.constant 1 : i32
      %add3A_98 = arith.addi %mul3A_82, %add3A_97 : i32
      %dma_wait3A_99 = arith.constant 0 : i32
      %dma_wait3A_100 = tpu.memref_slice %arg8[%add3A_98, %dma_wait3A_99] : memref<40x128xi32, #tpu.memory_space<vmem>> -> memref<1x128xi32, #tpu.memory_space<vmem>>
      %dma_wait3A_101 = tpu.memref_squeeze %dma_wait3A_100 : memref<1x128xi32, #tpu.memory_space<vmem>> -> memref<128xi32, #tpu.memory_space<vmem>>
      %dma_wait3A_102 = arith.constant 0 : i32
      %dma_wait3A_103 = arith.constant 0 : i32
      %dma_wait3A_104 = tpu.memref_slice %arg2[%dma_wait3A_102, %dma_wait3A_103] : memref<10000x128xf32, #tpu.memory_space<hbm>> -> memref<10000x128xf32, #tpu.memory_space<hbm>>
      tpu.wait_indirect_dma semaphore(%arg13 : memref<!tpu.dma_semaphore, #tpu.memory_space<semaphore_mem>>) src(%dma_wait3A_104 : memref<10000x128xf32, #tpu.memory_space<hbm>>) dst(%arg11 : memref<128x128xf32, #tpu.memory_space<vmem>>)
      %add3A_105 = arith.constant 1 : i32
      %add3A_106 = arith.addi %mul3A_82, %add3A_105 : i32
      "tpu.region"() ({
        %run_scoped3A_115 = tpu.sem_alloc : memref<!tpu.dma_semaphore, #tpu.memory_space<semaphore_mem>>
        %dma_start3A_116 = arith.constant 0 : i32
        %dma_start3A_117 = tpu.memref_slice %arg9[%add3A_106, %dma_start3A_116] : memref<40x128xi32, #tpu.memory_space<vmem>> -> memref<1x128xi32, #tpu.memory_space<vmem>>
        %dma_start3A_118 = tpu.memref_squeeze %dma_start3A_117 : memref<1x128xi32, #tpu.memory_space<vmem>> -> memref<128xi32, #tpu.memory_space<vmem>>
        %dma_start3A_119 = arith.constant 0 : i32
        %dma_start3A_120 = arith.constant 0 : i32
        %dma_start3A_121 = tpu.memref_slice %arg7[%dma_start3A_119, %dma_start3A_120] : memref<10112x128xf32, #tpu.memory_space<vmem_shared>> -> memref<10112x128xf32, #tpu.memory_space<vmem_shared>>
        tpu.enqueue_indirect_dma source(%arg11 : memref<128x128xf32, #tpu.memory_space<vmem>>) target(%dma_start3A_121 : memref<10112x128xf32, #tpu.memory_space<vmem_shared>>) offsets(%dma_start3A_118 : memref<128xi32, #tpu.memory_space<vmem>>) semaphore(%run_scoped3A_115 : memref<!tpu.dma_semaphore, #tpu.memory_space<semaphore_mem>>) {add = true}
        %dma_wait3A_122 = arith.constant 0 : i32
        %dma_wait3A_123 = tpu.memref_slice %arg9[%add3A_106, %dma_wait3A_122] : memref<40x128xi32, #tpu.memory_space<vmem>> -> memref<1x128xi32, #tpu.memory_space<vmem>>
        %dma_wait3A_124 = tpu.memref_squeeze %dma_wait3A_123 : memref<1x128xi32, #tpu.memory_space<vmem>> -> memref<128xi32, #tpu.memory_space<vmem>>
        %dma_wait3A_125 = arith.constant 0 : i32
        %dma_wait3A_126 = arith.constant 0 : i32
        %dma_wait3A_127 = tpu.memref_slice %arg7[%dma_wait3A_125, %dma_wait3A_126] : memref<10112x128xf32, #tpu.memory_space<vmem_shared>> -> memref<10112x128xf32, #tpu.memory_space<vmem_shared>>
        tpu.wait_indirect_dma semaphore(%run_scoped3A_115 : memref<!tpu.dma_semaphore, #tpu.memory_space<semaphore_mem>>) src(%arg11 : memref<128x128xf32, #tpu.memory_space<vmem>>) dst(%dma_wait3A_127 : memref<10112x128xf32, #tpu.memory_space<vmem_shared>>)
        tpu.yield
      }) : () -> ()
      %add3A_107 = arith.constant 3 : i32
      %add3A_108 = arith.addi %mul3A_82, %add3A_107 : i32
      %dma_start3A_109 = arith.constant 0 : i32
      %dma_start3A_110 = tpu.memref_slice %arg8[%add3A_108, %dma_start3A_109] : memref<40x128xi32, #tpu.memory_space<vmem>> -> memref<1x128xi32, #tpu.memory_space<vmem>>
      %dma_start3A_111 = tpu.memref_squeeze %dma_start3A_110 : memref<1x128xi32, #tpu.memory_space<vmem>> -> memref<128xi32, #tpu.memory_space<vmem>>
      %dma_start3A_112 = arith.constant 0 : i32
      %dma_start3A_113 = arith.constant 0 : i32
      %dma_start3A_114 = tpu.memref_slice %arg2[%dma_start3A_112, %dma_start3A_113] : memref<10000x128xf32, #tpu.memory_space<hbm>> -> memref<10000x128xf32, #tpu.memory_space<hbm>>
      tpu.enqueue_indirect_dma source(%dma_start3A_114 : memref<10000x128xf32, #tpu.memory_space<hbm>>) target(%arg11 : memref<128x128xf32, #tpu.memory_space<vmem>>) offsets(%dma_start3A_111 : memref<128xi32, #tpu.memory_space<vmem>>) semaphore(%arg13 : memref<!tpu.dma_semaphore, #tpu.memory_space<semaphore_mem>>)
    }
    %scan3A_20 = arith.constant 19 : i32
    %dma_wait3A = arith.constant 38 : i32
    %dma_wait3A_21 = arith.constant 0 : i32
    %dma_wait3A_22 = tpu.memref_slice %arg8[%dma_wait3A, %dma_wait3A_21] : memref<40x128xi32, #tpu.memory_space<vmem>> -> memref<1x128xi32, #tpu.memory_space<vmem>>
    %dma_wait3A_23 = tpu.memref_squeeze %dma_wait3A_22 : memref<1x128xi32, #tpu.memory_space<vmem>> -> memref<128xi32, #tpu.memory_space<vmem>>
    %dma_wait3A_24 = arith.constant 0 : i32
    %dma_wait3A_25 = arith.constant 0 : i32
    %dma_wait3A_26 = tpu.memref_slice %arg2[%dma_wait3A_24, %dma_wait3A_25] : memref<10000x128xf32, #tpu.memory_space<hbm>> -> memref<10000x128xf32, #tpu.memory_space<hbm>>
    tpu.wait_indirect_dma semaphore(%arg12 : memref<!tpu.dma_semaphore, #tpu.memory_space<semaphore_mem>>) src(%dma_wait3A_26 : memref<10000x128xf32, #tpu.memory_space<hbm>>) dst(%arg10 : memref<128x128xf32, #tpu.memory_space<vmem>>)
    %run_scoped3A = arith.constant 38 : i32
    "tpu.region"() ({
      %run_scoped3A_80 = tpu.sem_alloc : memref<!tpu.dma_semaphore, #tpu.memory_space<semaphore_mem>>
      %dma_start3A_81 = arith.constant 0 : i32
      %dma_start3A_82 = tpu.memref_slice %arg9[%run_scoped3A, %dma_start3A_81] : memref<40x128xi32, #tpu.memory_space<vmem>> -> memref<1x128xi32, #tpu.memory_space<vmem>>
      %dma_start3A_83 = tpu.memref_squeeze %dma_start3A_82 : memref<1x128xi32, #tpu.memory_space<vmem>> -> memref<128xi32, #tpu.memory_space<vmem>>
      %dma_start3A_84 = arith.constant 0 : i32
      %dma_start3A_85 = arith.constant 0 : i32
      %dma_start3A_86 = tpu.memref_slice %arg7[%dma_start3A_84, %dma_start3A_85] : memref<10112x128xf32, #tpu.memory_space<vmem_shared>> -> memref<10112x128xf32, #tpu.memory_space<vmem_shared>>
      tpu.enqueue_indirect_dma source(%arg10 : memref<128x128xf32, #tpu.memory_space<vmem>>) target(%dma_start3A_86 : memref<10112x128xf32, #tpu.memory_space<vmem_shared>>) offsets(%dma_start3A_83 : memref<128xi32, #tpu.memory_space<vmem>>) semaphore(%run_scoped3A_80 : memref<!tpu.dma_semaphore, #tpu.memory_space<semaphore_mem>>) {add = true}
      %dma_wait3A_87 = arith.constant 0 : i32
      %dma_wait3A_88 = tpu.memref_slice %arg9[%run_scoped3A, %dma_wait3A_87] : memref<40x128xi32, #tpu.memory_space<vmem>> -> memref<1x128xi32, #tpu.memory_space<vmem>>
      %dma_wait3A_89 = tpu.memref_squeeze %dma_wait3A_88 : memref<1x128xi32, #tpu.memory_space<vmem>> -> memref<128xi32, #tpu.memory_space<vmem>>
      %dma_wait3A_90 = arith.constant 0 : i32
      %dma_wait3A_91 = arith.constant 0 : i32
      %dma_wait3A_92 = tpu.memref_slice %arg7[%dma_wait3A_90, %dma_wait3A_91] : memref<10112x128xf32, #tpu.memory_space<vmem_shared>> -> memref<10112x128xf32, #tpu.memory_space<vmem_shared>>
      tpu.wait_indirect_dma semaphore(%run_scoped3A_80 : memref<!tpu.dma_semaphore, #tpu.memory_space<semaphore_mem>>) src(%arg10 : memref<128x128xf32, #tpu.memory_space<vmem>>) dst(%dma_wait3A_92 : memref<10112x128xf32, #tpu.memory_space<vmem_shared>>)
      tpu.yield
    }) : () -> ()
    %dma_wait3A_27 = arith.constant 39 : i32
    %dma_wait3A_28 = arith.constant 0 : i32
    %dma_wait3A_29 = tpu.memref_slice %arg8[%dma_wait3A_27, %dma_wait3A_28] : memref<40x128xi32, #tpu.memory_space<vmem>> -> memref<1x128xi32, #tpu.memory_space<vmem>>
    %dma_wait3A_30 = tpu.memref_squeeze %dma_wait3A_29 : memref<1x128xi32, #tpu.memory_space<vmem>> -> memref<128xi32, #tpu.memory_space<vmem>>
    %dma_wait3A_31 = arith.constant 0 : i32
    %dma_wait3A_32 = arith.constant 0 : i32
    %dma_wait3A_33 = tpu.memref_slice %arg2[%dma_wait3A_31, %dma_wait3A_32] : memref<10000x128xf32, #tpu.memory_space<hbm>> -> memref<10000x128xf32, #tpu.memory_space<hbm>>
    tpu.wait_indirect_dma semaphore(%arg13 : memref<!tpu.dma_semaphore, #tpu.memory_space<semaphore_mem>>) src(%dma_wait3A_33 : memref<10000x128xf32, #tpu.memory_space<hbm>>) dst(%arg11 : memref<128x128xf32, #tpu.memory_space<vmem>>)
    %run_scoped3A_34 = arith.constant 39 : i32
    "tpu.region"() ({
      %run_scoped3A_80 = tpu.sem_alloc : memref<!tpu.dma_semaphore, #tpu.memory_space<semaphore_mem>>
      %dma_start3A_81 = arith.constant 0 : i32
      %dma_start3A_82 = tpu.memref_slice %arg9[%run_scoped3A_34, %dma_start3A_81] : memref<40x128xi32, #tpu.memory_space<vmem>> -> memref<1x128xi32, #tpu.memory_space<vmem>>
      %dma_start3A_83 = tpu.memref_squeeze %dma_start3A_82 : memref<1x128xi32, #tpu.memory_space<vmem>> -> memref<128xi32, #tpu.memory_space<vmem>>
      %dma_start3A_84 = arith.constant 0 : i32
      %dma_start3A_85 = arith.constant 0 : i32
      %dma_start3A_86 = tpu.memref_slice %arg7[%dma_start3A_84, %dma_start3A_85] : memref<10112x128xf32, #tpu.memory_space<vmem_shared>> -> memref<10112x128xf32, #tpu.memory_space<vmem_shared>>
      tpu.enqueue_indirect_dma source(%arg11 : memref<128x128xf32, #tpu.memory_space<vmem>>) target(%dma_start3A_86 : memref<10112x128xf32, #tpu.memory_space<vmem_shared>>) offsets(%dma_start3A_83 : memref<128xi32, #tpu.memory_space<vmem>>) semaphore(%run_scoped3A_80 : memref<!tpu.dma_semaphore, #tpu.memory_space<semaphore_mem>>) {add = true}
      %dma_wait3A_87 = arith.constant 0 : i32
      %dma_wait3A_88 = tpu.memref_slice %arg9[%run_scoped3A_34, %dma_wait3A_87] : memref<40x128xi32, #tpu.memory_space<vmem>> -> memref<1x128xi32, #tpu.memory_space<vmem>>
      %dma_wait3A_89 = tpu.memref_squeeze %dma_wait3A_88 : memref<1x128xi32, #tpu.memory_space<vmem>> -> memref<128xi32, #tpu.memory_space<vmem>>
      %dma_wait3A_90 = arith.constant 0 : i32
      %dma_wait3A_91 = arith.constant 0 : i32
      %dma_wait3A_92 = tpu.memref_slice %arg7[%dma_wait3A_90, %dma_wait3A_91] : memref<10112x128xf32, #tpu.memory_space<vmem_shared>> -> memref<10112x128xf32, #tpu.memory_space<vmem_shared>>
      tpu.wait_indirect_dma semaphore(%run_scoped3A_80 : memref<!tpu.dma_semaphore, #tpu.memory_space<semaphore_mem>>) src(%arg11 : memref<128x128xf32, #tpu.memory_space<vmem>>) dst(%dma_wait3A_92 : memref<10112x128xf32, #tpu.memory_space<vmem_shared>>)
      tpu.yield
    }) : () -> ()
    "tpu.region"() ({
      %run_scoped3A_80 = tpu.sem_alloc : memref<!tpu.dma_semaphore, #tpu.memory_space<semaphore_mem>>
      %dma_start3A_81 = arith.constant 40 : i32
      %dma_start3A_82 = arith.constant 0 : i32
      %dma_start3A_83 = tpu.memref_slice %arg3[%add3A, %dma_start3A_81, %dma_start3A_82] : memref<32x80x128xi32, #tpu.memory_space<hbm>> -> memref<1x40x128xi32, #tpu.memory_space<hbm>>
      %dma_start3A_84 = tpu.memref_squeeze %dma_start3A_83 : memref<1x40x128xi32, #tpu.memory_space<hbm>> -> memref<40x128xi32, #tpu.memory_space<hbm>>
      %dma_start3A_85 = arith.constant 40 : i32
      %dma_start3A_86 = arith.constant 0 : i32
      %dma_start3A_87 = tpu.memref_slice %arg3[%add3A, %dma_start3A_85, %dma_start3A_86] : memref<32x80x128xi32, #tpu.memory_space<hbm>> -> memref<1x40x128xi32, #tpu.memory_space<hbm>>
      %dma_start3A_88 = tpu.memref_squeeze %dma_start3A_87 : memref<1x40x128xi32, #tpu.memory_space<hbm>> -> memref<40x128xi32, #tpu.memory_space<hbm>>
      tpu.enqueue_dma source(%dma_start3A_88 : memref<40x128xi32, #tpu.memory_space<hbm>>) target(%arg8 : memref<40x128xi32, #tpu.memory_space<vmem>>) target_semaphore(%run_scoped3A_80 : memref<!tpu.dma_semaphore, #tpu.memory_space<semaphore_mem>>)
      %dma_wait3A_89 = arith.constant 40 : i32
      %dma_wait3A_90 = arith.constant 0 : i32
      %dma_wait3A_91 = tpu.memref_slice %arg3[%add3A, %dma_wait3A_89, %dma_wait3A_90] : memref<32x80x128xi32, #tpu.memory_space<hbm>> -> memref<1x40x128xi32, #tpu.memory_space<hbm>>
      %dma_wait3A_92 = tpu.memref_squeeze %dma_wait3A_91 : memref<1x40x128xi32, #tpu.memory_space<hbm>> -> memref<40x128xi32, #tpu.memory_space<hbm>>
      %dma_wait3A_93 = arith.constant 40 : i32
      %dma_wait3A_94 = arith.constant 0 : i32
      %dma_wait3A_95 = tpu.memref_slice %arg3[%add3A, %dma_wait3A_93, %dma_wait3A_94] : memref<32x80x128xi32, #tpu.memory_space<hbm>> -> memref<1x40x128xi32, #tpu.memory_space<hbm>>
      %dma_wait3A_96 = tpu.memref_squeeze %dma_wait3A_95 : memref<1x40x128xi32, #tpu.memory_space<hbm>> -> memref<40x128xi32, #tpu.memory_space<hbm>>
      tpu.wait_dma2 semaphore(%run_scoped3A_80 : memref<!tpu.dma_semaphore, #tpu.memory_space<semaphore_mem>>) src(%dma_wait3A_96 : memref<40x128xi32, #tpu.memory_space<hbm>>) dst(%arg8 : memref<40x128xi32, #tpu.memory_space<vmem>>)
      tpu.yield
    }) : () -> ()
    "tpu.region"() ({
      %run_scoped3A_80 = tpu.sem_alloc : memref<!tpu.dma_semaphore, #tpu.memory_space<semaphore_mem>>
      %dma_start3A_81 = arith.constant 40 : i32
      %dma_start3A_82 = arith.constant 0 : i32
      %dma_start3A_83 = tpu.memref_slice %arg4[%add3A, %dma_start3A_81, %dma_start3A_82] : memref<32x80x128xi32, #tpu.memory_space<hbm>> -> memref<1x40x128xi32, #tpu.memory_space<hbm>>
      %dma_start3A_84 = tpu.memref_squeeze %dma_start3A_83 : memref<1x40x128xi32, #tpu.memory_space<hbm>> -> memref<40x128xi32, #tpu.memory_space<hbm>>
      %dma_start3A_85 = arith.constant 40 : i32
      %dma_start3A_86 = arith.constant 0 : i32
      %dma_start3A_87 = tpu.memref_slice %arg4[%add3A, %dma_start3A_85, %dma_start3A_86] : memref<32x80x128xi32, #tpu.memory_space<hbm>> -> memref<1x40x128xi32, #tpu.memory_space<hbm>>
      %dma_start3A_88 = tpu.memref_squeeze %dma_start3A_87 : memref<1x40x128xi32, #tpu.memory_space<hbm>> -> memref<40x128xi32, #tpu.memory_space<hbm>>
      tpu.enqueue_dma source(%dma_start3A_88 : memref<40x128xi32, #tpu.memory_space<hbm>>) target(%arg9 : memref<40x128xi32, #tpu.memory_space<vmem>>) target_semaphore(%run_scoped3A_80 : memref<!tpu.dma_semaphore, #tpu.memory_space<semaphore_mem>>)
      %dma_wait3A_89 = arith.constant 40 : i32
      %dma_wait3A_90 = arith.constant 0 : i32
      %dma_wait3A_91 = tpu.memref_slice %arg4[%add3A, %dma_wait3A_89, %dma_wait3A_90] : memref<32x80x128xi32, #tpu.memory_space<hbm>> -> memref<1x40x128xi32, #tpu.memory_space<hbm>>
      %dma_wait3A_92 = tpu.memref_squeeze %dma_wait3A_91 : memref<1x40x128xi32, #tpu.memory_space<hbm>> -> memref<40x128xi32, #tpu.memory_space<hbm>>
      %dma_wait3A_93 = arith.constant 40 : i32
      %dma_wait3A_94 = arith.constant 0 : i32
      %dma_wait3A_95 = tpu.memref_slice %arg4[%add3A, %dma_wait3A_93, %dma_wait3A_94] : memref<32x80x128xi32, #tpu.memory_space<hbm>> -> memref<1x40x128xi32, #tpu.memory_space<hbm>>
      %dma_wait3A_96 = tpu.memref_squeeze %dma_wait3A_95 : memref<1x40x128xi32, #tpu.memory_space<hbm>> -> memref<40x128xi32, #tpu.memory_space<hbm>>
      tpu.wait_dma2 semaphore(%run_scoped3A_80 : memref<!tpu.dma_semaphore, #tpu.memory_space<semaphore_mem>>) src(%dma_wait3A_96 : memref<40x128xi32, #tpu.memory_space<hbm>>) dst(%arg9 : memref<40x128xi32, #tpu.memory_space<vmem>>)
      tpu.yield
    }) : () -> ()
    %dma_start3A_35 = arith.constant 0 : i32
    %dma_start3A_36 = arith.constant 0 : i32
    %dma_start3A_37 = tpu.memref_slice %arg8[%dma_start3A_35, %dma_start3A_36] : memref<40x128xi32, #tpu.memory_space<vmem>> -> memref<1x128xi32, #tpu.memory_space<vmem>>
    %dma_start3A_38 = tpu.memref_squeeze %dma_start3A_37 : memref<1x128xi32, #tpu.memory_space<vmem>> -> memref<128xi32, #tpu.memory_space<vmem>>
    %dma_start3A_39 = arith.constant 0 : i32
    %dma_start3A_40 = arith.constant 0 : i32
    %dma_start3A_41 = tpu.memref_slice %arg2[%dma_start3A_39, %dma_start3A_40] : memref<10000x128xf32, #tpu.memory_space<hbm>> -> memref<10000x128xf32, #tpu.memory_space<hbm>>
    tpu.enqueue_indirect_dma source(%dma_start3A_41 : memref<10000x128xf32, #tpu.memory_space<hbm>>) target(%arg10 : memref<128x128xf32, #tpu.memory_space<vmem>>) offsets(%dma_start3A_38 : memref<128xi32, #tpu.memory_space<vmem>>) semaphore(%arg12 : memref<!tpu.dma_semaphore, #tpu.memory_space<semaphore_mem>>)
    %dma_start3A_42 = arith.constant 1 : i32
    %dma_start3A_43 = arith.constant 0 : i32
    %dma_start3A_44 = tpu.memref_slice %arg8[%dma_start3A_42, %dma_start3A_43] : memref<40x128xi32, #tpu.memory_space<vmem>> -> memref<1x128xi32, #tpu.memory_space<vmem>>
    %dma_start3A_45 = tpu.memref_squeeze %dma_start3A_44 : memref<1x128xi32, #tpu.memory_space<vmem>> -> memref<128xi32, #tpu.memory_space<vmem>>
    %dma_start3A_46 = arith.constant 0 : i32
    %dma_start3A_47 = arith.constant 0 : i32
    %dma_start3A_48 = tpu.memref_slice %arg2[%dma_start3A_46, %dma_start3A_47] : memref<10000x128xf32, #tpu.memory_space<hbm>> -> memref<10000x128xf32, #tpu.memory_space<hbm>>
    tpu.enqueue_indirect_dma source(%dma_start3A_48 : memref<10000x128xf32, #tpu.memory_space<hbm>>) target(%arg11 : memref<128x128xf32, #tpu.memory_space<vmem>>) offsets(%dma_start3A_45 : memref<128xi32, #tpu.memory_space<vmem>>) semaphore(%arg13 : memref<!tpu.dma_semaphore, #tpu.memory_space<semaphore_mem>>)
    %scan3A_49 = arith.constant 0 : i32
    %scan3A_50 = arith.constant 0 : i32
    %scan3A_51 = arith.constant 19 : i32
    %scan3A_52 = arith.addi %scan3A_50, %scan3A_51 : i32
    %scan3A_53 = arith.constant 1 : i32
    scf.for %scan3A_80 = %scan3A_50 to %scan3A_52 step %scan3A_53  : i32 {
      %mul3A_81 = arith.constant 2 : i32
      %mul3A_82 = arith.muli %mul3A_81, %scan3A_80 : i32
      %dma_wait3A_83 = arith.constant 0 : i32
      %dma_wait3A_84 = tpu.memref_slice %arg8[%mul3A_82, %dma_wait3A_83] : memref<40x128xi32, #tpu.memory_space<vmem>> -> memref<1x128xi32, #tpu.memory_space<vmem>>
      %dma_wait3A_85 = tpu.memref_squeeze %dma_wait3A_84 : memref<1x128xi32, #tpu.memory_space<vmem>> -> memref<128xi32, #tpu.memory_space<vmem>>
      %dma_wait3A_86 = arith.constant 0 : i32
      %dma_wait3A_87 = arith.constant 0 : i32
      %dma_wait3A_88 = tpu.memref_slice %arg2[%dma_wait3A_86, %dma_wait3A_87] : memref<10000x128xf32, #tpu.memory_space<hbm>> -> memref<10000x128xf32, #tpu.memory_space<hbm>>
      tpu.wait_indirect_dma semaphore(%arg12 : memref<!tpu.dma_semaphore, #tpu.memory_space<semaphore_mem>>) src(%dma_wait3A_88 : memref<10000x128xf32, #tpu.memory_space<hbm>>) dst(%arg10 : memref<128x128xf32, #tpu.memory_space<vmem>>)
      "tpu.region"() ({
        %run_scoped3A_115 = tpu.sem_alloc : memref<!tpu.dma_semaphore, #tpu.memory_space<semaphore_mem>>
        %dma_start3A_116 = arith.constant 0 : i32
        %dma_start3A_117 = tpu.memref_slice %arg9[%mul3A_82, %dma_start3A_116] : memref<40x128xi32, #tpu.memory_space<vmem>> -> memref<1x128xi32, #tpu.memory_space<vmem>>
        %dma_start3A_118 = tpu.memref_squeeze %dma_start3A_117 : memref<1x128xi32, #tpu.memory_space<vmem>> -> memref<128xi32, #tpu.memory_space<vmem>>
        %dma_start3A_119 = arith.constant 0 : i32
        %dma_start3A_120 = arith.constant 0 : i32
        %dma_start3A_121 = tpu.memref_slice %arg7[%dma_start3A_119, %dma_start3A_120] : memref<10112x128xf32, #tpu.memory_space<vmem_shared>> -> memref<10112x128xf32, #tpu.memory_space<vmem_shared>>
        tpu.enqueue_indirect_dma source(%arg10 : memref<128x128xf32, #tpu.memory_space<vmem>>) target(%dma_start3A_121 : memref<10112x128xf32, #tpu.memory_space<vmem_shared>>) offsets(%dma_start3A_118 : memref<128xi32, #tpu.memory_space<vmem>>) semaphore(%run_scoped3A_115 : memref<!tpu.dma_semaphore, #tpu.memory_space<semaphore_mem>>) {add = true}
        %dma_wait3A_122 = arith.constant 0 : i32
        %dma_wait3A_123 = tpu.memref_slice %arg9[%mul3A_82, %dma_wait3A_122] : memref<40x128xi32, #tpu.memory_space<vmem>> -> memref<1x128xi32, #tpu.memory_space<vmem>>
        %dma_wait3A_124 = tpu.memref_squeeze %dma_wait3A_123 : memref<1x128xi32, #tpu.memory_space<vmem>> -> memref<128xi32, #tpu.memory_space<vmem>>
        %dma_wait3A_125 = arith.constant 0 : i32
        %dma_wait3A_126 = arith.constant 0 : i32
        %dma_wait3A_127 = tpu.memref_slice %arg7[%dma_wait3A_125, %dma_wait3A_126] : memref<10112x128xf32, #tpu.memory_space<vmem_shared>> -> memref<10112x128xf32, #tpu.memory_space<vmem_shared>>
        tpu.wait_indirect_dma semaphore(%run_scoped3A_115 : memref<!tpu.dma_semaphore, #tpu.memory_space<semaphore_mem>>) src(%arg10 : memref<128x128xf32, #tpu.memory_space<vmem>>) dst(%dma_wait3A_127 : memref<10112x128xf32, #tpu.memory_space<vmem_shared>>)
        tpu.yield
      }) : () -> ()
      %add3A_89 = arith.constant 2 : i32
      %add3A_90 = arith.addi %mul3A_82, %add3A_89 : i32
      %dma_start3A_91 = arith.constant 0 : i32
      %dma_start3A_92 = tpu.memref_slice %arg8[%add3A_90, %dma_start3A_91] : memref<40x128xi32, #tpu.memory_space<vmem>> -> memref<1x128xi32, #tpu.memory_space<vmem>>
      %dma_start3A_93 = tpu.memref_squeeze %dma_start3A_92 : memref<1x128xi32, #tpu.memory_space<vmem>> -> memref<128xi32, #tpu.memory_space<vmem>>
      %dma_start3A_94 = arith.constant 0 : i32
      %dma_start3A_95 = arith.constant 0 : i32
      %dma_start3A_96 = tpu.memref_slice %arg2[%dma_start3A_94, %dma_start3A_95] : memref<10000x128xf32, #tpu.memory_space<hbm>> -> memref<10000x128xf32, #tpu.memory_space<hbm>>
      tpu.enqueue_indirect_dma source(%dma_start3A_96 : memref<10000x128xf32, #tpu.memory_space<hbm>>) target(%arg10 : memref<128x128xf32, #tpu.memory_space<vmem>>) offsets(%dma_start3A_93 : memref<128xi32, #tpu.memory_space<vmem>>) semaphore(%arg12 : memref<!tpu.dma_semaphore, #tpu.memory_space<semaphore_mem>>)
      %add3A_97 = arith.constant 1 : i32
      %add3A_98 = arith.addi %mul3A_82, %add3A_97 : i32
      %dma_wait3A_99 = arith.constant 0 : i32
      %dma_wait3A_100 = tpu.memref_slice %arg8[%add3A_98, %dma_wait3A_99] : memref<40x128xi32, #tpu.memory_space<vmem>> -> memref<1x128xi32, #tpu.memory_space<vmem>>
      %dma_wait3A_101 = tpu.memref_squeeze %dma_wait3A_100 : memref<1x128xi32, #tpu.memory_space<vmem>> -> memref<128xi32, #tpu.memory_space<vmem>>
      %dma_wait3A_102 = arith.constant 0 : i32
      %dma_wait3A_103 = arith.constant 0 : i32
      %dma_wait3A_104 = tpu.memref_slice %arg2[%dma_wait3A_102, %dma_wait3A_103] : memref<10000x128xf32, #tpu.memory_space<hbm>> -> memref<10000x128xf32, #tpu.memory_space<hbm>>
      tpu.wait_indirect_dma semaphore(%arg13 : memref<!tpu.dma_semaphore, #tpu.memory_space<semaphore_mem>>) src(%dma_wait3A_104 : memref<10000x128xf32, #tpu.memory_space<hbm>>) dst(%arg11 : memref<128x128xf32, #tpu.memory_space<vmem>>)
      %add3A_105 = arith.constant 1 : i32
      %add3A_106 = arith.addi %mul3A_82, %add3A_105 : i32
      "tpu.region"() ({
        %run_scoped3A_115 = tpu.sem_alloc : memref<!tpu.dma_semaphore, #tpu.memory_space<semaphore_mem>>
        %dma_start3A_116 = arith.constant 0 : i32
        %dma_start3A_117 = tpu.memref_slice %arg9[%add3A_106, %dma_start3A_116] : memref<40x128xi32, #tpu.memory_space<vmem>> -> memref<1x128xi32, #tpu.memory_space<vmem>>
        %dma_start3A_118 = tpu.memref_squeeze %dma_start3A_117 : memref<1x128xi32, #tpu.memory_space<vmem>> -> memref<128xi32, #tpu.memory_space<vmem>>
        %dma_start3A_119 = arith.constant 0 : i32
        %dma_start3A_120 = arith.constant 0 : i32
        %dma_start3A_121 = tpu.memref_slice %arg7[%dma_start3A_119, %dma_start3A_120] : memref<10112x128xf32, #tpu.memory_space<vmem_shared>> -> memref<10112x128xf32, #tpu.memory_space<vmem_shared>>
        tpu.enqueue_indirect_dma source(%arg11 : memref<128x128xf32, #tpu.memory_space<vmem>>) target(%dma_start3A_121 : memref<10112x128xf32, #tpu.memory_space<vmem_shared>>) offsets(%dma_start3A_118 : memref<128xi32, #tpu.memory_space<vmem>>) semaphore(%run_scoped3A_115 : memref<!tpu.dma_semaphore, #tpu.memory_space<semaphore_mem>>) {add = true}
        %dma_wait3A_122 = arith.constant 0 : i32
        %dma_wait3A_123 = tpu.memref_slice %arg9[%add3A_106, %dma_wait3A_122] : memref<40x128xi32, #tpu.memory_space<vmem>> -> memref<1x128xi32, #tpu.memory_space<vmem>>
        %dma_wait3A_124 = tpu.memref_squeeze %dma_wait3A_123 : memref<1x128xi32, #tpu.memory_space<vmem>> -> memref<128xi32, #tpu.memory_space<vmem>>
        %dma_wait3A_125 = arith.constant 0 : i32
        %dma_wait3A_126 = arith.constant 0 : i32
        %dma_wait3A_127 = tpu.memref_slice %arg7[%dma_wait3A_125, %dma_wait3A_126] : memref<10112x128xf32, #tpu.memory_space<vmem_shared>> -> memref<10112x128xf32, #tpu.memory_space<vmem_shared>>
        tpu.wait_indirect_dma semaphore(%run_scoped3A_115 : memref<!tpu.dma_semaphore, #tpu.memory_space<semaphore_mem>>) src(%arg11 : memref<128x128xf32, #tpu.memory_space<vmem>>) dst(%dma_wait3A_127 : memref<10112x128xf32, #tpu.memory_space<vmem_shared>>)
        tpu.yield
      }) : () -> ()
      %add3A_107 = arith.constant 3 : i32
      %add3A_108 = arith.addi %mul3A_82, %add3A_107 : i32
      %dma_start3A_109 = arith.constant 0 : i32
      %dma_start3A_110 = tpu.memref_slice %arg8[%add3A_108, %dma_start3A_109] : memref<40x128xi32, #tpu.memory_space<vmem>> -> memref<1x128xi32, #tpu.memory_space<vmem>>
      %dma_start3A_111 = tpu.memref_squeeze %dma_start3A_110 : memref<1x128xi32, #tpu.memory_space<vmem>> -> memref<128xi32, #tpu.memory_space<vmem>>
      %dma_start3A_112 = arith.constant 0 : i32
      %dma_start3A_113 = arith.constant 0 : i32
      %dma_start3A_114 = tpu.memref_slice %arg2[%dma_start3A_112, %dma_start3A_113] : memref<10000x128xf32, #tpu.memory_space<hbm>> -> memref<10000x128xf32, #tpu.memory_space<hbm>>
      tpu.enqueue_indirect_dma source(%dma_start3A_114 : memref<10000x128xf32, #tpu.memory_space<hbm>>) target(%arg11 : memref<128x128xf32, #tpu.memory_space<vmem>>) offsets(%dma_start3A_111 : memref<128xi32, #tpu.memory_space<vmem>>) semaphore(%arg13 : memref<!tpu.dma_semaphore, #tpu.memory_space<semaphore_mem>>)
    }
    %scan3A_54 = arith.constant 19 : i32
    %dma_wait3A_55 = arith.constant 38 : i32
    %dma_wait3A_56 = arith.constant 0 : i32
    %dma_wait3A_57 = tpu.memref_slice %arg8[%dma_wait3A_55, %dma_wait3A_56] : memref<40x128xi32, #tpu.memory_space<vmem>> -> memref<1x128xi32, #tpu.memory_space<vmem>>
    %dma_wait3A_58 = tpu.memref_squeeze %dma_wait3A_57 : memref<1x128xi32, #tpu.memory_space<vmem>> -> memref<128xi32, #tpu.memory_space<vmem>>
    %dma_wait3A_59 = arith.constant 0 : i32
    %dma_wait3A_60 = arith.constant 0 : i32
    %dma_wait3A_61 = tpu.memref_slice %arg2[%dma_wait3A_59, %dma_wait3A_60] : memref<10000x128xf32, #tpu.memory_space<hbm>> -> memref<10000x128xf32, #tpu.memory_space<hbm>>
    tpu.wait_indirect_dma semaphore(%arg12 : memref<!tpu.dma_semaphore, #tpu.memory_space<semaphore_mem>>) src(%dma_wait3A_61 : memref<10000x128xf32, #tpu.memory_space<hbm>>) dst(%arg10 : memref<128x128xf32, #tpu.memory_space<vmem>>)
    %run_scoped3A_62 = arith.constant 38 : i32
    "tpu.region"() ({
      %run_scoped3A_80 = tpu.sem_alloc : memref<!tpu.dma_semaphore, #tpu.memory_space<semaphore_mem>>
      %dma_start3A_81 = arith.constant 0 : i32
      %dma_start3A_82 = tpu.memref_slice %arg9[%run_scoped3A_62, %dma_start3A_81] : memref<40x128xi32, #tpu.memory_space<vmem>> -> memref<1x128xi32, #tpu.memory_space<vmem>>
      %dma_start3A_83 = tpu.memref_squeeze %dma_start3A_82 : memref<1x128xi32, #tpu.memory_space<vmem>> -> memref<128xi32, #tpu.memory_space<vmem>>
      %dma_start3A_84 = arith.constant 0 : i32
      %dma_start3A_85 = arith.constant 0 : i32
      %dma_start3A_86 = tpu.memref_slice %arg7[%dma_start3A_84, %dma_start3A_85] : memref<10112x128xf32, #tpu.memory_space<vmem_shared>> -> memref<10112x128xf32, #tpu.memory_space<vmem_shared>>
      tpu.enqueue_indirect_dma source(%arg10 : memref<128x128xf32, #tpu.memory_space<vmem>>) target(%dma_start3A_86 : memref<10112x128xf32, #tpu.memory_space<vmem_shared>>) offsets(%dma_start3A_83 : memref<128xi32, #tpu.memory_space<vmem>>) semaphore(%run_scoped3A_80 : memref<!tpu.dma_semaphore, #tpu.memory_space<semaphore_mem>>) {add = true}
      %dma_wait3A_87 = arith.constant 0 : i32
      %dma_wait3A_88 = tpu.memref_slice %arg9[%run_scoped3A_62, %dma_wait3A_87] : memref<40x128xi32, #tpu.memory_space<vmem>> -> memref<1x128xi32, #tpu.memory_space<vmem>>
      %dma_wait3A_89 = tpu.memref_squeeze %dma_wait3A_88 : memref<1x128xi32, #tpu.memory_space<vmem>> -> memref<128xi32, #tpu.memory_space<vmem>>
      %dma_wait3A_90 = arith.constant 0 : i32
      %dma_wait3A_91 = arith.constant 0 : i32
      %dma_wait3A_92 = tpu.memref_slice %arg7[%dma_wait3A_90, %dma_wait3A_91] : memref<10112x128xf32, #tpu.memory_space<vmem_shared>> -> memref<10112x128xf32, #tpu.memory_space<vmem_shared>>
      tpu.wait_indirect_dma semaphore(%run_scoped3A_80 : memref<!tpu.dma_semaphore, #tpu.memory_space<semaphore_mem>>) src(%arg10 : memref<128x128xf32, #tpu.memory_space<vmem>>) dst(%dma_wait3A_92 : memref<10112x128xf32, #tpu.memory_space<vmem_shared>>)
      tpu.yield
    }) : () -> ()
    %dma_wait3A_63 = arith.constant 39 : i32
    %dma_wait3A_64 = arith.constant 0 : i32
    %dma_wait3A_65 = tpu.memref_slice %arg8[%dma_wait3A_63, %dma_wait3A_64] : memref<40x128xi32, #tpu.memory_space<vmem>> -> memref<1x128xi32, #tpu.memory_space<vmem>>
    %dma_wait3A_66 = tpu.memref_squeeze %dma_wait3A_65 : memref<1x128xi32, #tpu.memory_space<vmem>> -> memref<128xi32, #tpu.memory_space<vmem>>
    %dma_wait3A_67 = arith.constant 0 : i32
    %dma_wait3A_68 = arith.constant 0 : i32
    %dma_wait3A_69 = tpu.memref_slice %arg2[%dma_wait3A_67, %dma_wait3A_68] : memref<10000x128xf32, #tpu.memory_space<hbm>> -> memref<10000x128xf32, #tpu.memory_space<hbm>>
    tpu.wait_indirect_dma semaphore(%arg13 : memref<!tpu.dma_semaphore, #tpu.memory_space<semaphore_mem>>) src(%dma_wait3A_69 : memref<10000x128xf32, #tpu.memory_space<hbm>>) dst(%arg11 : memref<128x128xf32, #tpu.memory_space<vmem>>)
    %run_scoped3A_70 = arith.constant 39 : i32
    "tpu.region"() ({
      %run_scoped3A_80 = tpu.sem_alloc : memref<!tpu.dma_semaphore, #tpu.memory_space<semaphore_mem>>
      %dma_start3A_81 = arith.constant 0 : i32
      %dma_start3A_82 = tpu.memref_slice %arg9[%run_scoped3A_70, %dma_start3A_81] : memref<40x128xi32, #tpu.memory_space<vmem>> -> memref<1x128xi32, #tpu.memory_space<vmem>>
      %dma_start3A_83 = tpu.memref_squeeze %dma_start3A_82 : memref<1x128xi32, #tpu.memory_space<vmem>> -> memref<128xi32, #tpu.memory_space<vmem>>
      %dma_start3A_84 = arith.constant 0 : i32
      %dma_start3A_85 = arith.constant 0 : i32
      %dma_start3A_86 = tpu.memref_slice %arg7[%dma_start3A_84, %dma_start3A_85] : memref<10112x128xf32, #tpu.memory_space<vmem_shared>> -> memref<10112x128xf32, #tpu.memory_space<vmem_shared>>
      tpu.enqueue_indirect_dma source(%arg11 : memref<128x128xf32, #tpu.memory_space<vmem>>) target(%dma_start3A_86 : memref<10112x128xf32, #tpu.memory_space<vmem_shared>>) offsets(%dma_start3A_83 : memref<128xi32, #tpu.memory_space<vmem>>) semaphore(%run_scoped3A_80 : memref<!tpu.dma_semaphore, #tpu.memory_space<semaphore_mem>>) {add = true}
      %dma_wait3A_87 = arith.constant 0 : i32
      %dma_wait3A_88 = tpu.memref_slice %arg9[%run_scoped3A_70, %dma_wait3A_87] : memref<40x128xi32, #tpu.memory_space<vmem>> -> memref<1x128xi32, #tpu.memory_space<vmem>>
      %dma_wait3A_89 = tpu.memref_squeeze %dma_wait3A_88 : memref<1x128xi32, #tpu.memory_space<vmem>> -> memref<128xi32, #tpu.memory_space<vmem>>
      %dma_wait3A_90 = arith.constant 0 : i32
      %dma_wait3A_91 = arith.constant 0 : i32
      %dma_wait3A_92 = tpu.memref_slice %arg7[%dma_wait3A_90, %dma_wait3A_91] : memref<10112x128xf32, #tpu.memory_space<vmem_shared>> -> memref<10112x128xf32, #tpu.memory_space<vmem_shared>>
      tpu.wait_indirect_dma semaphore(%run_scoped3A_80 : memref<!tpu.dma_semaphore, #tpu.memory_space<semaphore_mem>>) src(%arg11 : memref<128x128xf32, #tpu.memory_space<vmem>>) dst(%dma_wait3A_92 : memref<10112x128xf32, #tpu.memory_space<vmem_shared>>)
      tpu.yield
    }) : () -> ()
    %barrier3A_71 = arith.constant 0 : index
    tpu.barrier barrier_id(%barrier3A_71)
    %mul3A_72 = arith.constant 632 : i32
    %mul3A_73 = arith.muli %arg1, %mul3A_72 : i32
    %lt3A = arith.constant 15 : i32
    %lt3A_74 = arith.cmpi slt, %arg1, %lt3A : i32
    %convert_element_type3A = arith.extui %lt3A_74 : i1 to i32
    %cond3A = arith.constant 0 : i32
    %cond3A_75 = arith.cmpi ne, %convert_element_type3A, %cond3A : i32
    scf.if %cond3A_75 {
      "tpu.region"() ({
        %run_scoped3A_80 = tpu.sem_alloc : memref<!tpu.dma_semaphore, #tpu.memory_space<semaphore_mem>>
        %dma_start3A_81 = arith.constant 0 : i32
        %dma_start3A_82 = tpu.memref_slice %arg6[%arg0, %mul3A_73, %dma_start3A_81] : memref<2x10000x128xf32, #tpu.memory_space<hbm>> -> memref<1x632x128xf32, #tpu.memory_space<hbm>>
        %dma_start3A_83 = tpu.memref_squeeze %dma_start3A_82 : memref<1x632x128xf32, #tpu.memory_space<hbm>> -> memref<632x128xf32, #tpu.memory_space<hbm>>
        %dma_start3A_84 = arith.constant 0 : i32
        %dma_start3A_85 = tpu.memref_slice %arg7[%mul3A_73, %dma_start3A_84] : memref<10112x128xf32, #tpu.memory_space<vmem_shared>> -> memref<632x128xf32, #tpu.memory_space<vmem_shared>>
        tpu.enqueue_dma source(%dma_start3A_85 : memref<632x128xf32, #tpu.memory_space<vmem_shared>>) target(%dma_start3A_83 : memref<632x128xf32, #tpu.memory_space<hbm>>) target_semaphore(%run_scoped3A_80 : memref<!tpu.dma_semaphore, #tpu.memory_space<semaphore_mem>>)
        %dma_wait3A_86 = arith.constant 0 : i32
        %dma_wait3A_87 = tpu.memref_slice %arg6[%arg0, %mul3A_73, %dma_wait3A_86] : memref<2x10000x128xf32, #tpu.memory_space<hbm>> -> memref<1x632x128xf32, #tpu.memory_space<hbm>>
        %dma_wait3A_88 = tpu.memref_squeeze %dma_wait3A_87 : memref<1x632x128xf32, #tpu.memory_space<hbm>> -> memref<632x128xf32, #tpu.memory_space<hbm>>
        %dma_wait3A_89 = arith.constant 0 : i32
        %dma_wait3A_90 = tpu.memref_slice %arg7[%mul3A_73, %dma_wait3A_89] : memref<10112x128xf32, #tpu.memory_space<vmem_shared>> -> memref<632x128xf32, #tpu.memory_space<vmem_shared>>
        tpu.wait_dma2 semaphore(%run_scoped3A_80 : memref<!tpu.dma_semaphore, #tpu.memory_space<semaphore_mem>>) src(%dma_wait3A_90 : memref<632x128xf32, #tpu.memory_space<vmem_shared>>) dst(%dma_wait3A_88 : memref<632x128xf32, #tpu.memory_space<hbm>>)
        tpu.yield
      }) : () -> ()
    } else {
    }
    %eq3A = arith.constant 15 : i32
    %eq3A_76 = arith.cmpi eq, %arg1, %eq3A : i32
    %convert_element_type3A_77 = arith.extui %eq3A_76 : i1 to i32
    %cond3A_78 = arith.constant 0 : i32
    %cond3A_79 = arith.cmpi ne, %convert_element_type3A_77, %cond3A_78 : i32
    scf.if %cond3A_79 {
      "tpu.region"() ({
        %run_scoped3A_80 = tpu.sem_alloc : memref<!tpu.dma_semaphore, #tpu.memory_space<semaphore_mem>>
        %dma_start3A_81 = arith.constant 0 : i32
        %dma_start3A_82 = tpu.memref_slice %arg6[%arg0, %mul3A_73, %dma_start3A_81] : memref<2x10000x128xf32, #tpu.memory_space<hbm>> -> memref<1x520x128xf32, #tpu.memory_space<hbm>>
        %dma_start3A_83 = tpu.memref_squeeze %dma_start3A_82 : memref<1x520x128xf32, #tpu.memory_space<hbm>> -> memref<520x128xf32, #tpu.memory_space<hbm>>
        %dma_start3A_84 = arith.constant 0 : i32
        %dma_start3A_85 = tpu.memref_slice %arg7[%mul3A_73, %dma_start3A_84] : memref<10112x128xf32, #tpu.memory_space<vmem_shared>> -> memref<520x128xf32, #tpu.memory_space<vmem_shared>>
        tpu.enqueue_dma source(%dma_start3A_85 : memref<520x128xf32, #tpu.memory_space<vmem_shared>>) target(%dma_start3A_83 : memref<520x128xf32, #tpu.memory_space<hbm>>) target_semaphore(%run_scoped3A_80 : memref<!tpu.dma_semaphore, #tpu.memory_space<semaphore_mem>>)
        %dma_wait3A_86 = arith.constant 0 : i32
        %dma_wait3A_87 = tpu.memref_slice %arg6[%arg0, %mul3A_73, %dma_wait3A_86] : memref<2x10000x128xf32, #tpu.memory_space<hbm>> -> memref<1x520x128xf32, #tpu.memory_space<hbm>>
        %dma_wait3A_88 = tpu.memref_squeeze %dma_wait3A_87 : memref<1x520x128xf32, #tpu.memory_space<hbm>> -> memref<520x128xf32, #tpu.memory_space<hbm>>
        %dma_wait3A_89 = arith.constant 0 : i32
        %dma_wait3A_90 = tpu.memref_slice %arg7[%mul3A_73, %dma_wait3A_89] : memref<10112x128xf32, #tpu.memory_space<vmem_shared>> -> memref<520x128xf32, #tpu.memory_space<vmem_shared>>
        tpu.wait_dma2 semaphore(%run_scoped3A_80 : memref<!tpu.dma_semaphore, #tpu.memory_space<semaphore_mem>>) src(%dma_wait3A_90 : memref<520x128xf32, #tpu.memory_space<vmem_shared>>) dst(%dma_wait3A_88 : memref<520x128xf32, #tpu.memory_space<hbm>>)
        tpu.yield
      }) : () -> ()
    } else {
    }
    return
  }
}

#map = affine_map<(d0, d1) -> (0, 0)>
#map1 = affine_map<(d0, d1) -> (0, 0, 0)>
module attributes {stable_mosaic.version = 14 : i64} {
  func.func @agg(%arg0: i32, %arg1: i32, %arg2: memref<10000x128xf32, #tpu.memory_space<hbm>>, %arg3: memref<32x80x128xi32, #tpu.memory_space<hbm>>, %arg4: memref<32x80x128xi32, #tpu.memory_space<hbm>>, %arg5: memref<632x128xf32, #tpu.memory_space<hbm>>, %arg6: memref<2x10000x128xf32, #tpu.memory_space<hbm>>, %arg7: memref<10112x128xf32, #tpu.memory_space<vmem_shared>>, %arg8: memref<40x128xi32, #tpu.memory_space<vmem>>, %arg9: memref<40x128xi32, #tpu.memory_space<vmem>>, %arg10: memref<128x128xf32, #tpu.memory_space<vmem>>, %arg11: memref<128x128xf32, #tpu.memory_space<vmem>>, %arg12: memref<!tpu.dma_semaphore, #tpu.memory_space<semaphore_mem>>, %arg13: memref<!tpu.dma_semaphore, #tpu.memory_space<semaphore_mem>>) attributes {dimension_semantics = [#tpu.dimension_semantics<core_parallel>, #tpu.dimension_semantics<subcore_parallel>], iteration_bounds = array<i64: 2, 16>, scalar_prefetch = 0 : i64, scratch_operands = 7 : i64, tpu.core_type = #tpu.core_type<sc_vector_subcore>, window_params = [{transform_indices = #map}, {transform_indices = #map1}, {transform_indices = #map1}, {transform_indices = #map}, {transform_indices = #map1}]} {
    %mul3A = arith.constant 16 : i32
    %mul3A_0 = arith.muli %arg0, %mul3A : i32
    %add3A = arith.addi %mul3A_0, %arg1 : i32
    %mul3A_1 = arith.constant 632 : i32
    %mul3A_2 = arith.muli %arg1, %mul3A_1 : i32
    "tpu.region"() ({
      %run_scoped3A_80 = tpu.sem_alloc : memref<!tpu.dma_semaphore, #tpu.memory_space<semaphore_mem>>
      %dma_start3A_81 = arith.constant 0 : i32
      %dma_start3A_82 = tpu.memref_slice %arg7[%mul3A_2, %dma_start3A_81] : memref<10112x128xf32, #tpu.memory_space<vmem_shared>> -> memref<632x128xf32, #tpu.memory_space<vmem_shared>>
      tpu.enqueue_dma source(%arg5 : memref<632x128xf32, #tpu.memory_space<hbm>>) target(%dma_start3A_82 : memref<632x128xf32, #tpu.memory_space<vmem_shared>>) target_semaphore(%run_scoped3A_80 : memref<!tpu.dma_semaphore, #tpu.memory_space<semaphore_mem>>)
      %dma_wait3A_83 = arith.constant 0 : i32
      %dma_wait3A_84 = tpu.memref_slice %arg7[%mul3A_2, %dma_wait3A_83] : memref<10112x128xf32, #tpu.memory_space<vmem_shared>> -> memref<632x128xf32, #tpu.memory_space<vmem_shared>>
      tpu.wait_dma2 semaphore(%run_scoped3A_80 : memref<!tpu.dma_semaphore, #tpu.memory_space<semaphore_mem>>) src(%arg5 : memref<632x128xf32, #tpu.memory_space<hbm>>) dst(%dma_wait3A_84 : memref<632x128xf32, #tpu.memory_space<vmem_shared>>)
      tpu.yield
    }) : () -> ()
    %barrier3A = arith.constant 0 : index
    tpu.barrier barrier_id(%barrier3A)
    "tpu.region"() ({
      %run_scoped3A_80 = tpu.sem_alloc : memref<!tpu.dma_semaphore, #tpu.memory_space<semaphore_mem>>
      %dma_start3A_81 = arith.constant 0 : i32
      %dma_start3A_82 = arith.constant 0 : i32
      %dma_start3A_83 = tpu.memref_slice %arg3[%add3A, %dma_start3A_81, %dma_start3A_82] : memref<32x80x128xi32, #tpu.memory_space<hbm>> -> memref<1x40x128xi32, #tpu.memory_space<hbm>>
      %dma_start3A_84 = tpu.memref_squeeze %dma_start3A_83 : memref<1x40x128xi32, #tpu.memory_space<hbm>> -> memref<40x128xi32, #tpu.memory_space<hbm>>
      %dma_start3A_85 = arith.constant 0 : i32
      %dma_start3A_86 = arith.constant 0 : i32
      %dma_start3A_87 = tpu.memref_slice %arg3[%add3A, %dma_start3A_85, %dma_start3A_86] : memref<32x80x128xi32, #tpu.memory_space<hbm>> -> memref<1x40x128xi32, #tpu.memory_space<hbm>>
      %dma_start3A_88 = tpu.memref_squeeze %dma_start3A_87 : memref<1x40x128xi32, #tpu.memory_space<hbm>> -> memref<40x128xi32, #tpu.memory_space<hbm>>
      tpu.enqueue_dma source(%dma_start3A_88 : memref<40x128xi32, #tpu.memory_space<hbm>>) target(%arg8 : memref<40x128xi32, #tpu.memory_space<vmem>>) target_semaphore(%run_scoped3A_80 : memref<!tpu.dma_semaphore, #tpu.memory_space<semaphore_mem>>)
      %dma_wait3A_89 = arith.constant 0 : i32
      %dma_wait3A_90 = arith.constant 0 : i32
      %dma_wait3A_91 = tpu.memref_slice %arg3[%add3A, %dma_wait3A_89, %dma_wait3A_90] : memref<32x80x128xi32, #tpu.memory_space<hbm>> -> memref<1x40x128xi32, #tpu.memory_space<hbm>>
      %dma_wait3A_92 = tpu.memref_squeeze %dma_wait3A_91 : memref<1x40x128xi32, #tpu.memory_space<hbm>> -> memref<40x128xi32, #tpu.memory_space<hbm>>
      %dma_wait3A_93 = arith.constant 0 : i32
      %dma_wait3A_94 = arith.constant 0 : i32
      %dma_wait3A_95 = tpu.memref_slice %arg3[%add3A, %dma_wait3A_93, %dma_wait3A_94] : memref<32x80x128xi32, #tpu.memory_space<hbm>> -> memref<1x40x128xi32, #tpu.memory_space<hbm>>
      %dma_wait3A_96 = tpu.memref_squeeze %dma_wait3A_95 : memref<1x40x128xi32, #tpu.memory_space<hbm>> -> memref<40x128xi32, #tpu.memory_space<hbm>>
      tpu.wait_dma2 semaphore(%run_scoped3A_80 : memref<!tpu.dma_semaphore, #tpu.memory_space<semaphore_mem>>) src(%dma_wait3A_96 : memref<40x128xi32, #tpu.memory_space<hbm>>) dst(%arg8 : memref<40x128xi32, #tpu.memory_space<vmem>>)
      tpu.yield
    }) : () -> ()
    "tpu.region"() ({
      %run_scoped3A_80 = tpu.sem_alloc : memref<!tpu.dma_semaphore, #tpu.memory_space<semaphore_mem>>
      %dma_start3A_81 = arith.constant 0 : i32
      %dma_start3A_82 = arith.constant 0 : i32
      %dma_start3A_83 = tpu.memref_slice %arg4[%add3A, %dma_start3A_81, %dma_start3A_82] : memref<32x80x128xi32, #tpu.memory_space<hbm>> -> memref<1x40x128xi32, #tpu.memory_space<hbm>>
      %dma_start3A_84 = tpu.memref_squeeze %dma_start3A_83 : memref<1x40x128xi32, #tpu.memory_space<hbm>> -> memref<40x128xi32, #tpu.memory_space<hbm>>
      %dma_start3A_85 = arith.constant 0 : i32
      %dma_start3A_86 = arith.constant 0 : i32
      %dma_start3A_87 = tpu.memref_slice %arg4[%add3A, %dma_start3A_85, %dma_start3A_86] : memref<32x80x128xi32, #tpu.memory_space<hbm>> -> memref<1x40x128xi32, #tpu.memory_space<hbm>>
      %dma_start3A_88 = tpu.memref_squeeze %dma_start3A_87 : memref<1x40x128xi32, #tpu.memory_space<hbm>> -> memref<40x128xi32, #tpu.memory_space<hbm>>
      tpu.enqueue_dma source(%dma_start3A_88 : memref<40x128xi32, #tpu.memory_space<hbm>>) target(%arg9 : memref<40x128xi32, #tpu.memory_space<vmem>>) target_semaphore(%run_scoped3A_80 : memref<!tpu.dma_semaphore, #tpu.memory_space<semaphore_mem>>)
      %dma_wait3A_89 = arith.constant 0 : i32
      %dma_wait3A_90 = arith.constant 0 : i32
      %dma_wait3A_91 = tpu.memref_slice %arg4[%add3A, %dma_wait3A_89, %dma_wait3A_90] : memref<32x80x128xi32, #tpu.memory_space<hbm>> -> memref<1x40x128xi32, #tpu.memory_space<hbm>>
      %dma_wait3A_92 = tpu.memref_squeeze %dma_wait3A_91 : memref<1x40x128xi32, #tpu.memory_space<hbm>> -> memref<40x128xi32, #tpu.memory_space<hbm>>
      %dma_wait3A_93 = arith.constant 0 : i32
      %dma_wait3A_94 = arith.constant 0 : i32
      %dma_wait3A_95 = tpu.memref_slice %arg4[%add3A, %dma_wait3A_93, %dma_wait3A_94] : memref<32x80x128xi32, #tpu.memory_space<hbm>> -> memref<1x40x128xi32, #tpu.memory_space<hbm>>
      %dma_wait3A_96 = tpu.memref_squeeze %dma_wait3A_95 : memref<1x40x128xi32, #tpu.memory_space<hbm>> -> memref<40x128xi32, #tpu.memory_space<hbm>>
      tpu.wait_dma2 semaphore(%run_scoped3A_80 : memref<!tpu.dma_semaphore, #tpu.memory_space<semaphore_mem>>) src(%dma_wait3A_96 : memref<40x128xi32, #tpu.memory_space<hbm>>) dst(%arg9 : memref<40x128xi32, #tpu.memory_space<vmem>>)
      tpu.yield
    }) : () -> ()
    %dma_start3A = arith.constant 0 : i32
    %dma_start3A_3 = arith.constant 0 : i32
    %dma_start3A_4 = tpu.memref_slice %arg8[%dma_start3A, %dma_start3A_3] : memref<40x128xi32, #tpu.memory_space<vmem>> -> memref<1x128xi32, #tpu.memory_space<vmem>>
    %dma_start3A_5 = tpu.memref_squeeze %dma_start3A_4 : memref<1x128xi32, #tpu.memory_space<vmem>> -> memref<128xi32, #tpu.memory_space<vmem>>
    %dma_start3A_6 = arith.constant 0 : i32
    %dma_start3A_7 = arith.constant 0 : i32
    %dma_start3A_8 = tpu.memref_slice %arg2[%dma_start3A_6, %dma_start3A_7] : memref<10000x128xf32, #tpu.memory_space<hbm>> -> memref<10000x128xf32, #tpu.memory_space<hbm>>
    tpu.enqueue_indirect_dma source(%dma_start3A_8 : memref<10000x128xf32, #tpu.memory_space<hbm>>) target(%arg10 : memref<128x128xf32, #tpu.memory_space<vmem>>) offsets(%dma_start3A_5 : memref<128xi32, #tpu.memory_space<vmem>>) semaphore(%arg12 : memref<!tpu.dma_semaphore, #tpu.memory_space<semaphore_mem>>)
    %dma_start3A_9 = arith.constant 1 : i32
    %dma_start3A_10 = arith.constant 0 : i32
    %dma_start3A_11 = tpu.memref_slice %arg8[%dma_start3A_9, %dma_start3A_10] : memref<40x128xi32, #tpu.memory_space<vmem>> -> memref<1x128xi32, #tpu.memory_space<vmem>>
    %dma_start3A_12 = tpu.memref_squeeze %dma_start3A_11 : memref<1x128xi32, #tpu.memory_space<vmem>> -> memref<128xi32, #tpu.memory_space<vmem>>
    %dma_start3A_13 = arith.constant 0 : i32
    %dma_start3A_14 = arith.constant 0 : i32
    %dma_start3A_15 = tpu.memref_slice %arg2[%dma_start3A_13, %dma_start3A_14] : memref<10000x128xf32, #tpu.memory_space<hbm>> -> memref<10000x128xf32, #tpu.memory_space<hbm>>
    tpu.enqueue_indirect_dma source(%dma_start3A_15 : memref<10000x128xf32, #tpu.memory_space<hbm>>) target(%arg11 : memref<128x128xf32, #tpu.memory_space<vmem>>) offsets(%dma_start3A_12 : memref<128xi32, #tpu.memory_space<vmem>>) semaphore(%arg13 : memref<!tpu.dma_semaphore, #tpu.memory_space<semaphore_mem>>)
    %scan3A = arith.constant 0 : i32
    %scan3A_16 = arith.constant 0 : i32
    %scan3A_17 = arith.constant 19 : i32
    %scan3A_18 = arith.addi %scan3A_16, %scan3A_17 : i32
    %scan3A_19 = arith.constant 1 : i32
    scf.for %scan3A_80 = %scan3A_16 to %scan3A_18 step %scan3A_19  : i32 {
      %mul3A_81 = arith.constant 2 : i32
      %mul3A_82 = arith.muli %mul3A_81, %scan3A_80 : i32
      %dma_wait3A_83 = arith.constant 0 : i32
      %dma_wait3A_84 = tpu.memref_slice %arg8[%mul3A_82, %dma_wait3A_83] : memref<40x128xi32, #tpu.memory_space<vmem>> -> memref<1x128xi32, #tpu.memory_space<vmem>>
      %dma_wait3A_85 = tpu.memref_squeeze %dma_wait3A_84 : memref<1x128xi32, #tpu.memory_space<vmem>> -> memref<128xi32, #tpu.memory_space<vmem>>
      %dma_wait3A_86 = arith.constant 0 : i32
      %dma_wait3A_87 = arith.constant 0 : i32
      %dma_wait3A_88 = tpu.memref_slice %arg2[%dma_wait3A_86, %dma_wait3A_87] : memref<10000x128xf32, #tpu.memory_space<hbm>> -> memref<10000x128xf32, #tpu.memory_space<hbm>>
      tpu.wait_indirect_dma semaphore(%arg12 : memref<!tpu.dma_semaphore, #tpu.memory_space<semaphore_mem>>) src(%dma_wait3A_88 : memref<10000x128xf32, #tpu.memory_space<hbm>>) dst(%arg10 : memref<128x128xf32, #tpu.memory_space<vmem>>)
      "tpu.region"() ({
        %run_scoped3A_115 = tpu.sem_alloc : memref<!tpu.dma_semaphore, #tpu.memory_space<semaphore_mem>>
        %dma_start3A_116 = arith.constant 0 : i32
        %dma_start3A_117 = tpu.memref_slice %arg9[%mul3A_82, %dma_start3A_116] : memref<40x128xi32, #tpu.memory_space<vmem>> -> memref<1x128xi32, #tpu.memory_space<vmem>>
        %dma_start3A_118 = tpu.memref_squeeze %dma_start3A_117 : memref<1x128xi32, #tpu.memory_space<vmem>> -> memref<128xi32, #tpu.memory_space<vmem>>
        %dma_start3A_119 = arith.constant 0 : i32
        %dma_start3A_120 = arith.constant 0 : i32
        %dma_start3A_121 = tpu.memref_slice %arg7[%dma_start3A_119, %dma_start3A_120] : memref<10112x128xf32, #tpu.memory_space<vmem_shared>> -> memref<10112x128xf32, #tpu.memory_space<vmem_shared>>
        tpu.enqueue_indirect_dma source(%arg10 : memref<128x128xf32, #tpu.memory_space<vmem>>) target(%dma_start3A_121 : memref<10112x128xf32, #tpu.memory_space<vmem_shared>>) offsets(%dma_start3A_118 : memref<128xi32, #tpu.memory_space<vmem>>) semaphore(%run_scoped3A_115 : memref<!tpu.dma_semaphore, #tpu.memory_space<semaphore_mem>>) {add = true}
        %dma_wait3A_122 = arith.constant 0 : i32
        %dma_wait3A_123 = tpu.memref_slice %arg9[%mul3A_82, %dma_wait3A_122] : memref<40x128xi32, #tpu.memory_space<vmem>> -> memref<1x128xi32, #tpu.memory_space<vmem>>
        %dma_wait3A_124 = tpu.memref_squeeze %dma_wait3A_123 : memref<1x128xi32, #tpu.memory_space<vmem>> -> memref<128xi32, #tpu.memory_space<vmem>>
        %dma_wait3A_125 = arith.constant 0 : i32
        %dma_wait3A_126 = arith.constant 0 : i32
        %dma_wait3A_127 = tpu.memref_slice %arg7[%dma_wait3A_125, %dma_wait3A_126] : memref<10112x128xf32, #tpu.memory_space<vmem_shared>> -> memref<10112x128xf32, #tpu.memory_space<vmem_shared>>
        tpu.wait_indirect_dma semaphore(%run_scoped3A_115 : memref<!tpu.dma_semaphore, #tpu.memory_space<semaphore_mem>>) src(%arg10 : memref<128x128xf32, #tpu.memory_space<vmem>>) dst(%dma_wait3A_127 : memref<10112x128xf32, #tpu.memory_space<vmem_shared>>)
        tpu.yield
      }) : () -> ()
      %add3A_89 = arith.constant 2 : i32
      %add3A_90 = arith.addi %mul3A_82, %add3A_89 : i32
      %dma_start3A_91 = arith.constant 0 : i32
      %dma_start3A_92 = tpu.memref_slice %arg8[%add3A_90, %dma_start3A_91] : memref<40x128xi32, #tpu.memory_space<vmem>> -> memref<1x128xi32, #tpu.memory_space<vmem>>
      %dma_start3A_93 = tpu.memref_squeeze %dma_start3A_92 : memref<1x128xi32, #tpu.memory_space<vmem>> -> memref<128xi32, #tpu.memory_space<vmem>>
      %dma_start3A_94 = arith.constant 0 : i32
      %dma_start3A_95 = arith.constant 0 : i32
      %dma_start3A_96 = tpu.memref_slice %arg2[%dma_start3A_94, %dma_start3A_95] : memref<10000x128xf32, #tpu.memory_space<hbm>> -> memref<10000x128xf32, #tpu.memory_space<hbm>>
      tpu.enqueue_indirect_dma source(%dma_start3A_96 : memref<10000x128xf32, #tpu.memory_space<hbm>>) target(%arg10 : memref<128x128xf32, #tpu.memory_space<vmem>>) offsets(%dma_start3A_93 : memref<128xi32, #tpu.memory_space<vmem>>) semaphore(%arg12 : memref<!tpu.dma_semaphore, #tpu.memory_space<semaphore_mem>>)
      %add3A_97 = arith.constant 1 : i32
      %add3A_98 = arith.addi %mul3A_82, %add3A_97 : i32
      %dma_wait3A_99 = arith.constant 0 : i32
      %dma_wait3A_100 = tpu.memref_slice %arg8[%add3A_98, %dma_wait3A_99] : memref<40x128xi32, #tpu.memory_space<vmem>> -> memref<1x128xi32, #tpu.memory_space<vmem>>
      %dma_wait3A_101 = tpu.memref_squeeze %dma_wait3A_100 : memref<1x128xi32, #tpu.memory_space<vmem>> -> memref<128xi32, #tpu.memory_space<vmem>>
      %dma_wait3A_102 = arith.constant 0 : i32
      %dma_wait3A_103 = arith.constant 0 : i32
      %dma_wait3A_104 = tpu.memref_slice %arg2[%dma_wait3A_102, %dma_wait3A_103] : memref<10000x128xf32, #tpu.memory_space<hbm>> -> memref<10000x128xf32, #tpu.memory_space<hbm>>
      tpu.wait_indirect_dma semaphore(%arg13 : memref<!tpu.dma_semaphore, #tpu.memory_space<semaphore_mem>>) src(%dma_wait3A_104 : memref<10000x128xf32, #tpu.memory_space<hbm>>) dst(%arg11 : memref<128x128xf32, #tpu.memory_space<vmem>>)
      %add3A_105 = arith.constant 1 : i32
      %add3A_106 = arith.addi %mul3A_82, %add3A_105 : i32
      "tpu.region"() ({
        %run_scoped3A_115 = tpu.sem_alloc : memref<!tpu.dma_semaphore, #tpu.memory_space<semaphore_mem>>
        %dma_start3A_116 = arith.constant 0 : i32
        %dma_start3A_117 = tpu.memref_slice %arg9[%add3A_106, %dma_start3A_116] : memref<40x128xi32, #tpu.memory_space<vmem>> -> memref<1x128xi32, #tpu.memory_space<vmem>>
        %dma_start3A_118 = tpu.memref_squeeze %dma_start3A_117 : memref<1x128xi32, #tpu.memory_space<vmem>> -> memref<128xi32, #tpu.memory_space<vmem>>
        %dma_start3A_119 = arith.constant 0 : i32
        %dma_start3A_120 = arith.constant 0 : i32
        %dma_start3A_121 = tpu.memref_slice %arg7[%dma_start3A_119, %dma_start3A_120] : memref<10112x128xf32, #tpu.memory_space<vmem_shared>> -> memref<10112x128xf32, #tpu.memory_space<vmem_shared>>
        tpu.enqueue_indirect_dma source(%arg11 : memref<128x128xf32, #tpu.memory_space<vmem>>) target(%dma_start3A_121 : memref<10112x128xf32, #tpu.memory_space<vmem_shared>>) offsets(%dma_start3A_118 : memref<128xi32, #tpu.memory_space<vmem>>) semaphore(%run_scoped3A_115 : memref<!tpu.dma_semaphore, #tpu.memory_space<semaphore_mem>>) {add = true}
        %dma_wait3A_122 = arith.constant 0 : i32
        %dma_wait3A_123 = tpu.memref_slice %arg9[%add3A_106, %dma_wait3A_122] : memref<40x128xi32, #tpu.memory_space<vmem>> -> memref<1x128xi32, #tpu.memory_space<vmem>>
        %dma_wait3A_124 = tpu.memref_squeeze %dma_wait3A_123 : memref<1x128xi32, #tpu.memory_space<vmem>> -> memref<128xi32, #tpu.memory_space<vmem>>
        %dma_wait3A_125 = arith.constant 0 : i32
        %dma_wait3A_126 = arith.constant 0 : i32
        %dma_wait3A_127 = tpu.memref_slice %arg7[%dma_wait3A_125, %dma_wait3A_126] : memref<10112x128xf32, #tpu.memory_space<vmem_shared>> -> memref<10112x128xf32, #tpu.memory_space<vmem_shared>>
        tpu.wait_indirect_dma semaphore(%run_scoped3A_115 : memref<!tpu.dma_semaphore, #tpu.memory_space<semaphore_mem>>) src(%arg11 : memref<128x128xf32, #tpu.memory_space<vmem>>) dst(%dma_wait3A_127 : memref<10112x128xf32, #tpu.memory_space<vmem_shared>>)
        tpu.yield
      }) : () -> ()
      %add3A_107 = arith.constant 3 : i32
      %add3A_108 = arith.addi %mul3A_82, %add3A_107 : i32
      %dma_start3A_109 = arith.constant 0 : i32
      %dma_start3A_110 = tpu.memref_slice %arg8[%add3A_108, %dma_start3A_109] : memref<40x128xi32, #tpu.memory_space<vmem>> -> memref<1x128xi32, #tpu.memory_space<vmem>>
      %dma_start3A_111 = tpu.memref_squeeze %dma_start3A_110 : memref<1x128xi32, #tpu.memory_space<vmem>> -> memref<128xi32, #tpu.memory_space<vmem>>
      %dma_start3A_112 = arith.constant 0 : i32
      %dma_start3A_113 = arith.constant 0 : i32
      %dma_start3A_114 = tpu.memref_slice %arg2[%dma_start3A_112, %dma_start3A_113] : memref<10000x128xf32, #tpu.memory_space<hbm>> -> memref<10000x128xf32, #tpu.memory_space<hbm>>
      tpu.enqueue_indirect_dma source(%dma_start3A_114 : memref<10000x128xf32, #tpu.memory_space<hbm>>) target(%arg11 : memref<128x128xf32, #tpu.memory_space<vmem>>) offsets(%dma_start3A_111 : memref<128xi32, #tpu.memory_space<vmem>>) semaphore(%arg13 : memref<!tpu.dma_semaphore, #tpu.memory_space<semaphore_mem>>)
    }
    %scan3A_20 = arith.constant 19 : i32
    %dma_wait3A = arith.constant 38 : i32
    %dma_wait3A_21 = arith.constant 0 : i32
    %dma_wait3A_22 = tpu.memref_slice %arg8[%dma_wait3A, %dma_wait3A_21] : memref<40x128xi32, #tpu.memory_space<vmem>> -> memref<1x128xi32, #tpu.memory_space<vmem>>
    %dma_wait3A_23 = tpu.memref_squeeze %dma_wait3A_22 : memref<1x128xi32, #tpu.memory_space<vmem>> -> memref<128xi32, #tpu.memory_space<vmem>>
    %dma_wait3A_24 = arith.constant 0 : i32
    %dma_wait3A_25 = arith.constant 0 : i32
    %dma_wait3A_26 = tpu.memref_slice %arg2[%dma_wait3A_24, %dma_wait3A_25] : memref<10000x128xf32, #tpu.memory_space<hbm>> -> memref<10000x128xf32, #tpu.memory_space<hbm>>
    tpu.wait_indirect_dma semaphore(%arg12 : memref<!tpu.dma_semaphore, #tpu.memory_space<semaphore_mem>>) src(%dma_wait3A_26 : memref<10000x128xf32, #tpu.memory_space<hbm>>) dst(%arg10 : memref<128x128xf32, #tpu.memory_space<vmem>>)
    %run_scoped3A = arith.constant 38 : i32
    "tpu.region"() ({
      %run_scoped3A_80 = tpu.sem_alloc : memref<!tpu.dma_semaphore, #tpu.memory_space<semaphore_mem>>
      %dma_start3A_81 = arith.constant 0 : i32
      %dma_start3A_82 = tpu.memref_slice %arg9[%run_scoped3A, %dma_start3A_81] : memref<40x128xi32, #tpu.memory_space<vmem>> -> memref<1x128xi32, #tpu.memory_space<vmem>>
      %dma_start3A_83 = tpu.memref_squeeze %dma_start3A_82 : memref<1x128xi32, #tpu.memory_space<vmem>> -> memref<128xi32, #tpu.memory_space<vmem>>
      %dma_start3A_84 = arith.constant 0 : i32
      %dma_start3A_85 = arith.constant 0 : i32
      %dma_start3A_86 = tpu.memref_slice %arg7[%dma_start3A_84, %dma_start3A_85] : memref<10112x128xf32, #tpu.memory_space<vmem_shared>> -> memref<10112x128xf32, #tpu.memory_space<vmem_shared>>
      tpu.enqueue_indirect_dma source(%arg10 : memref<128x128xf32, #tpu.memory_space<vmem>>) target(%dma_start3A_86 : memref<10112x128xf32, #tpu.memory_space<vmem_shared>>) offsets(%dma_start3A_83 : memref<128xi32, #tpu.memory_space<vmem>>) semaphore(%run_scoped3A_80 : memref<!tpu.dma_semaphore, #tpu.memory_space<semaphore_mem>>) {add = true}
      %dma_wait3A_87 = arith.constant 0 : i32
      %dma_wait3A_88 = tpu.memref_slice %arg9[%run_scoped3A, %dma_wait3A_87] : memref<40x128xi32, #tpu.memory_space<vmem>> -> memref<1x128xi32, #tpu.memory_space<vmem>>
      %dma_wait3A_89 = tpu.memref_squeeze %dma_wait3A_88 : memref<1x128xi32, #tpu.memory_space<vmem>> -> memref<128xi32, #tpu.memory_space<vmem>>
      %dma_wait3A_90 = arith.constant 0 : i32
      %dma_wait3A_91 = arith.constant 0 : i32
      %dma_wait3A_92 = tpu.memref_slice %arg7[%dma_wait3A_90, %dma_wait3A_91] : memref<10112x128xf32, #tpu.memory_space<vmem_shared>> -> memref<10112x128xf32, #tpu.memory_space<vmem_shared>>
      tpu.wait_indirect_dma semaphore(%run_scoped3A_80 : memref<!tpu.dma_semaphore, #tpu.memory_space<semaphore_mem>>) src(%arg10 : memref<128x128xf32, #tpu.memory_space<vmem>>) dst(%dma_wait3A_92 : memref<10112x128xf32, #tpu.memory_space<vmem_shared>>)
      tpu.yield
    }) : () -> ()
    %dma_wait3A_27 = arith.constant 39 : i32
    %dma_wait3A_28 = arith.constant 0 : i32
    %dma_wait3A_29 = tpu.memref_slice %arg8[%dma_wait3A_27, %dma_wait3A_28] : memref<40x128xi32, #tpu.memory_space<vmem>> -> memref<1x128xi32, #tpu.memory_space<vmem>>
    %dma_wait3A_30 = tpu.memref_squeeze %dma_wait3A_29 : memref<1x128xi32, #tpu.memory_space<vmem>> -> memref<128xi32, #tpu.memory_space<vmem>>
    %dma_wait3A_31 = arith.constant 0 : i32
    %dma_wait3A_32 = arith.constant 0 : i32
    %dma_wait3A_33 = tpu.memref_slice %arg2[%dma_wait3A_31, %dma_wait3A_32] : memref<10000x128xf32, #tpu.memory_space<hbm>> -> memref<10000x128xf32, #tpu.memory_space<hbm>>
    tpu.wait_indirect_dma semaphore(%arg13 : memref<!tpu.dma_semaphore, #tpu.memory_space<semaphore_mem>>) src(%dma_wait3A_33 : memref<10000x128xf32, #tpu.memory_space<hbm>>) dst(%arg11 : memref<128x128xf32, #tpu.memory_space<vmem>>)
    %run_scoped3A_34 = arith.constant 39 : i32
    "tpu.region"() ({
      %run_scoped3A_80 = tpu.sem_alloc : memref<!tpu.dma_semaphore, #tpu.memory_space<semaphore_mem>>
      %dma_start3A_81 = arith.constant 0 : i32
      %dma_start3A_82 = tpu.memref_slice %arg9[%run_scoped3A_34, %dma_start3A_81] : memref<40x128xi32, #tpu.memory_space<vmem>> -> memref<1x128xi32, #tpu.memory_space<vmem>>
      %dma_start3A_83 = tpu.memref_squeeze %dma_start3A_82 : memref<1x128xi32, #tpu.memory_space<vmem>> -> memref<128xi32, #tpu.memory_space<vmem>>
      %dma_start3A_84 = arith.constant 0 : i32
      %dma_start3A_85 = arith.constant 0 : i32
      %dma_start3A_86 = tpu.memref_slice %arg7[%dma_start3A_84, %dma_start3A_85] : memref<10112x128xf32, #tpu.memory_space<vmem_shared>> -> memref<10112x128xf32, #tpu.memory_space<vmem_shared>>
      tpu.enqueue_indirect_dma source(%arg11 : memref<128x128xf32, #tpu.memory_space<vmem>>) target(%dma_start3A_86 : memref<10112x128xf32, #tpu.memory_space<vmem_shared>>) offsets(%dma_start3A_83 : memref<128xi32, #tpu.memory_space<vmem>>) semaphore(%run_scoped3A_80 : memref<!tpu.dma_semaphore, #tpu.memory_space<semaphore_mem>>) {add = true}
      %dma_wait3A_87 = arith.constant 0 : i32
      %dma_wait3A_88 = tpu.memref_slice %arg9[%run_scoped3A_34, %dma_wait3A_87] : memref<40x128xi32, #tpu.memory_space<vmem>> -> memref<1x128xi32, #tpu.memory_space<vmem>>
      %dma_wait3A_89 = tpu.memref_squeeze %dma_wait3A_88 : memref<1x128xi32, #tpu.memory_space<vmem>> -> memref<128xi32, #tpu.memory_space<vmem>>
      %dma_wait3A_90 = arith.constant 0 : i32
      %dma_wait3A_91 = arith.constant 0 : i32
      %dma_wait3A_92 = tpu.memref_slice %arg7[%dma_wait3A_90, %dma_wait3A_91] : memref<10112x128xf32, #tpu.memory_space<vmem_shared>> -> memref<10112x128xf32, #tpu.memory_space<vmem_shared>>
      tpu.wait_indirect_dma semaphore(%run_scoped3A_80 : memref<!tpu.dma_semaphore, #tpu.memory_space<semaphore_mem>>) src(%arg11 : memref<128x128xf32, #tpu.memory_space<vmem>>) dst(%dma_wait3A_92 : memref<10112x128xf32, #tpu.memory_space<vmem_shared>>)
      tpu.yield
    }) : () -> ()
    "tpu.region"() ({
      %run_scoped3A_80 = tpu.sem_alloc : memref<!tpu.dma_semaphore, #tpu.memory_space<semaphore_mem>>
      %dma_start3A_81 = arith.constant 40 : i32
      %dma_start3A_82 = arith.constant 0 : i32
      %dma_start3A_83 = tpu.memref_slice %arg3[%add3A, %dma_start3A_81, %dma_start3A_82] : memref<32x80x128xi32, #tpu.memory_space<hbm>> -> memref<1x40x128xi32, #tpu.memory_space<hbm>>
      %dma_start3A_84 = tpu.memref_squeeze %dma_start3A_83 : memref<1x40x128xi32, #tpu.memory_space<hbm>> -> memref<40x128xi32, #tpu.memory_space<hbm>>
      %dma_start3A_85 = arith.constant 40 : i32
      %dma_start3A_86 = arith.constant 0 : i32
      %dma_start3A_87 = tpu.memref_slice %arg3[%add3A, %dma_start3A_85, %dma_start3A_86] : memref<32x80x128xi32, #tpu.memory_space<hbm>> -> memref<1x40x128xi32, #tpu.memory_space<hbm>>
      %dma_start3A_88 = tpu.memref_squeeze %dma_start3A_87 : memref<1x40x128xi32, #tpu.memory_space<hbm>> -> memref<40x128xi32, #tpu.memory_space<hbm>>
      tpu.enqueue_dma source(%dma_start3A_88 : memref<40x128xi32, #tpu.memory_space<hbm>>) target(%arg8 : memref<40x128xi32, #tpu.memory_space<vmem>>) target_semaphore(%run_scoped3A_80 : memref<!tpu.dma_semaphore, #tpu.memory_space<semaphore_mem>>)
      %dma_wait3A_89 = arith.constant 40 : i32
      %dma_wait3A_90 = arith.constant 0 : i32
      %dma_wait3A_91 = tpu.memref_slice %arg3[%add3A, %dma_wait3A_89, %dma_wait3A_90] : memref<32x80x128xi32, #tpu.memory_space<hbm>> -> memref<1x40x128xi32, #tpu.memory_space<hbm>>
      %dma_wait3A_92 = tpu.memref_squeeze %dma_wait3A_91 : memref<1x40x128xi32, #tpu.memory_space<hbm>> -> memref<40x128xi32, #tpu.memory_space<hbm>>
      %dma_wait3A_93 = arith.constant 40 : i32
      %dma_wait3A_94 = arith.constant 0 : i32
      %dma_wait3A_95 = tpu.memref_slice %arg3[%add3A, %dma_wait3A_93, %dma_wait3A_94] : memref<32x80x128xi32, #tpu.memory_space<hbm>> -> memref<1x40x128xi32, #tpu.memory_space<hbm>>
      %dma_wait3A_96 = tpu.memref_squeeze %dma_wait3A_95 : memref<1x40x128xi32, #tpu.memory_space<hbm>> -> memref<40x128xi32, #tpu.memory_space<hbm>>
      tpu.wait_dma2 semaphore(%run_scoped3A_80 : memref<!tpu.dma_semaphore, #tpu.memory_space<semaphore_mem>>) src(%dma_wait3A_96 : memref<40x128xi32, #tpu.memory_space<hbm>>) dst(%arg8 : memref<40x128xi32, #tpu.memory_space<vmem>>)
      tpu.yield
    }) : () -> ()
    "tpu.region"() ({
      %run_scoped3A_80 = tpu.sem_alloc : memref<!tpu.dma_semaphore, #tpu.memory_space<semaphore_mem>>
      %dma_start3A_81 = arith.constant 40 : i32
      %dma_start3A_82 = arith.constant 0 : i32
      %dma_start3A_83 = tpu.memref_slice %arg4[%add3A, %dma_start3A_81, %dma_start3A_82] : memref<32x80x128xi32, #tpu.memory_space<hbm>> -> memref<1x40x128xi32, #tpu.memory_space<hbm>>
      %dma_start3A_84 = tpu.memref_squeeze %dma_start3A_83 : memref<1x40x128xi32, #tpu.memory_space<hbm>> -> memref<40x128xi32, #tpu.memory_space<hbm>>
      %dma_start3A_85 = arith.constant 40 : i32
      %dma_start3A_86 = arith.constant 0 : i32
      %dma_start3A_87 = tpu.memref_slice %arg4[%add3A, %dma_start3A_85, %dma_start3A_86] : memref<32x80x128xi32, #tpu.memory_space<hbm>> -> memref<1x40x128xi32, #tpu.memory_space<hbm>>
      %dma_start3A_88 = tpu.memref_squeeze %dma_start3A_87 : memref<1x40x128xi32, #tpu.memory_space<hbm>> -> memref<40x128xi32, #tpu.memory_space<hbm>>
      tpu.enqueue_dma source(%dma_start3A_88 : memref<40x128xi32, #tpu.memory_space<hbm>>) target(%arg9 : memref<40x128xi32, #tpu.memory_space<vmem>>) target_semaphore(%run_scoped3A_80 : memref<!tpu.dma_semaphore, #tpu.memory_space<semaphore_mem>>)
      %dma_wait3A_89 = arith.constant 40 : i32
      %dma_wait3A_90 = arith.constant 0 : i32
      %dma_wait3A_91 = tpu.memref_slice %arg4[%add3A, %dma_wait3A_89, %dma_wait3A_90] : memref<32x80x128xi32, #tpu.memory_space<hbm>> -> memref<1x40x128xi32, #tpu.memory_space<hbm>>
      %dma_wait3A_92 = tpu.memref_squeeze %dma_wait3A_91 : memref<1x40x128xi32, #tpu.memory_space<hbm>> -> memref<40x128xi32, #tpu.memory_space<hbm>>
      %dma_wait3A_93 = arith.constant 40 : i32
      %dma_wait3A_94 = arith.constant 0 : i32
      %dma_wait3A_95 = tpu.memref_slice %arg4[%add3A, %dma_wait3A_93, %dma_wait3A_94] : memref<32x80x128xi32, #tpu.memory_space<hbm>> -> memref<1x40x128xi32, #tpu.memory_space<hbm>>
      %dma_wait3A_96 = tpu.memref_squeeze %dma_wait3A_95 : memref<1x40x128xi32, #tpu.memory_space<hbm>> -> memref<40x128xi32, #tpu.memory_space<hbm>>
      tpu.wait_dma2 semaphore(%run_scoped3A_80 : memref<!tpu.dma_semaphore, #tpu.memory_space<semaphore_mem>>) src(%dma_wait3A_96 : memref<40x128xi32, #tpu.memory_space<hbm>>) dst(%arg9 : memref<40x128xi32, #tpu.memory_space<vmem>>)
      tpu.yield
    }) : () -> ()
    %dma_start3A_35 = arith.constant 0 : i32
    %dma_start3A_36 = arith.constant 0 : i32
    %dma_start3A_37 = tpu.memref_slice %arg8[%dma_start3A_35, %dma_start3A_36] : memref<40x128xi32, #tpu.memory_space<vmem>> -> memref<1x128xi32, #tpu.memory_space<vmem>>
    %dma_start3A_38 = tpu.memref_squeeze %dma_start3A_37 : memref<1x128xi32, #tpu.memory_space<vmem>> -> memref<128xi32, #tpu.memory_space<vmem>>
    %dma_start3A_39 = arith.constant 0 : i32
    %dma_start3A_40 = arith.constant 0 : i32
    %dma_start3A_41 = tpu.memref_slice %arg2[%dma_start3A_39, %dma_start3A_40] : memref<10000x128xf32, #tpu.memory_space<hbm>> -> memref<10000x128xf32, #tpu.memory_space<hbm>>
    tpu.enqueue_indirect_dma source(%dma_start3A_41 : memref<10000x128xf32, #tpu.memory_space<hbm>>) target(%arg10 : memref<128x128xf32, #tpu.memory_space<vmem>>) offsets(%dma_start3A_38 : memref<128xi32, #tpu.memory_space<vmem>>) semaphore(%arg12 : memref<!tpu.dma_semaphore, #tpu.memory_space<semaphore_mem>>)
    %dma_start3A_42 = arith.constant 1 : i32
    %dma_start3A_43 = arith.constant 0 : i32
    %dma_start3A_44 = tpu.memref_slice %arg8[%dma_start3A_42, %dma_start3A_43] : memref<40x128xi32, #tpu.memory_space<vmem>> -> memref<1x128xi32, #tpu.memory_space<vmem>>
    %dma_start3A_45 = tpu.memref_squeeze %dma_start3A_44 : memref<1x128xi32, #tpu.memory_space<vmem>> -> memref<128xi32, #tpu.memory_space<vmem>>
    %dma_start3A_46 = arith.constant 0 : i32
    %dma_start3A_47 = arith.constant 0 : i32
    %dma_start3A_48 = tpu.memref_slice %arg2[%dma_start3A_46, %dma_start3A_47] : memref<10000x128xf32, #tpu.memory_space<hbm>> -> memref<10000x128xf32, #tpu.memory_space<hbm>>
    tpu.enqueue_indirect_dma source(%dma_start3A_48 : memref<10000x128xf32, #tpu.memory_space<hbm>>) target(%arg11 : memref<128x128xf32, #tpu.memory_space<vmem>>) offsets(%dma_start3A_45 : memref<128xi32, #tpu.memory_space<vmem>>) semaphore(%arg13 : memref<!tpu.dma_semaphore, #tpu.memory_space<semaphore_mem>>)
    %scan3A_49 = arith.constant 0 : i32
    %scan3A_50 = arith.constant 0 : i32
    %scan3A_51 = arith.constant 19 : i32
    %scan3A_52 = arith.addi %scan3A_50, %scan3A_51 : i32
    %scan3A_53 = arith.constant 1 : i32
    scf.for %scan3A_80 = %scan3A_50 to %scan3A_52 step %scan3A_53  : i32 {
      %mul3A_81 = arith.constant 2 : i32
      %mul3A_82 = arith.muli %mul3A_81, %scan3A_80 : i32
      %dma_wait3A_83 = arith.constant 0 : i32
      %dma_wait3A_84 = tpu.memref_slice %arg8[%mul3A_82, %dma_wait3A_83] : memref<40x128xi32, #tpu.memory_space<vmem>> -> memref<1x128xi32, #tpu.memory_space<vmem>>
      %dma_wait3A_85 = tpu.memref_squeeze %dma_wait3A_84 : memref<1x128xi32, #tpu.memory_space<vmem>> -> memref<128xi32, #tpu.memory_space<vmem>>
      %dma_wait3A_86 = arith.constant 0 : i32
      %dma_wait3A_87 = arith.constant 0 : i32
      %dma_wait3A_88 = tpu.memref_slice %arg2[%dma_wait3A_86, %dma_wait3A_87] : memref<10000x128xf32, #tpu.memory_space<hbm>> -> memref<10000x128xf32, #tpu.memory_space<hbm>>
      tpu.wait_indirect_dma semaphore(%arg12 : memref<!tpu.dma_semaphore, #tpu.memory_space<semaphore_mem>>) src(%dma_wait3A_88 : memref<10000x128xf32, #tpu.memory_space<hbm>>) dst(%arg10 : memref<128x128xf32, #tpu.memory_space<vmem>>)
      "tpu.region"() ({
        %run_scoped3A_115 = tpu.sem_alloc : memref<!tpu.dma_semaphore, #tpu.memory_space<semaphore_mem>>
        %dma_start3A_116 = arith.constant 0 : i32
        %dma_start3A_117 = tpu.memref_slice %arg9[%mul3A_82, %dma_start3A_116] : memref<40x128xi32, #tpu.memory_space<vmem>> -> memref<1x128xi32, #tpu.memory_space<vmem>>
        %dma_start3A_118 = tpu.memref_squeeze %dma_start3A_117 : memref<1x128xi32, #tpu.memory_space<vmem>> -> memref<128xi32, #tpu.memory_space<vmem>>
        %dma_start3A_119 = arith.constant 0 : i32
        %dma_start3A_120 = arith.constant 0 : i32
        %dma_start3A_121 = tpu.memref_slice %arg7[%dma_start3A_119, %dma_start3A_120] : memref<10112x128xf32, #tpu.memory_space<vmem_shared>> -> memref<10112x128xf32, #tpu.memory_space<vmem_shared>>
        tpu.enqueue_indirect_dma source(%arg10 : memref<128x128xf32, #tpu.memory_space<vmem>>) target(%dma_start3A_121 : memref<10112x128xf32, #tpu.memory_space<vmem_shared>>) offsets(%dma_start3A_118 : memref<128xi32, #tpu.memory_space<vmem>>) semaphore(%run_scoped3A_115 : memref<!tpu.dma_semaphore, #tpu.memory_space<semaphore_mem>>) {add = true}
        %dma_wait3A_122 = arith.constant 0 : i32
        %dma_wait3A_123 = tpu.memref_slice %arg9[%mul3A_82, %dma_wait3A_122] : memref<40x128xi32, #tpu.memory_space<vmem>> -> memref<1x128xi32, #tpu.memory_space<vmem>>
        %dma_wait3A_124 = tpu.memref_squeeze %dma_wait3A_123 : memref<1x128xi32, #tpu.memory_space<vmem>> -> memref<128xi32, #tpu.memory_space<vmem>>
        %dma_wait3A_125 = arith.constant 0 : i32
        %dma_wait3A_126 = arith.constant 0 : i32
        %dma_wait3A_127 = tpu.memref_slice %arg7[%dma_wait3A_125, %dma_wait3A_126] : memref<10112x128xf32, #tpu.memory_space<vmem_shared>> -> memref<10112x128xf32, #tpu.memory_space<vmem_shared>>
        tpu.wait_indirect_dma semaphore(%run_scoped3A_115 : memref<!tpu.dma_semaphore, #tpu.memory_space<semaphore_mem>>) src(%arg10 : memref<128x128xf32, #tpu.memory_space<vmem>>) dst(%dma_wait3A_127 : memref<10112x128xf32, #tpu.memory_space<vmem_shared>>)
        tpu.yield
      }) : () -> ()
      %add3A_89 = arith.constant 2 : i32
      %add3A_90 = arith.addi %mul3A_82, %add3A_89 : i32
      %dma_start3A_91 = arith.constant 0 : i32
      %dma_start3A_92 = tpu.memref_slice %arg8[%add3A_90, %dma_start3A_91] : memref<40x128xi32, #tpu.memory_space<vmem>> -> memref<1x128xi32, #tpu.memory_space<vmem>>
      %dma_start3A_93 = tpu.memref_squeeze %dma_start3A_92 : memref<1x128xi32, #tpu.memory_space<vmem>> -> memref<128xi32, #tpu.memory_space<vmem>>
      %dma_start3A_94 = arith.constant 0 : i32
      %dma_start3A_95 = arith.constant 0 : i32
      %dma_start3A_96 = tpu.memref_slice %arg2[%dma_start3A_94, %dma_start3A_95] : memref<10000x128xf32, #tpu.memory_space<hbm>> -> memref<10000x128xf32, #tpu.memory_space<hbm>>
      tpu.enqueue_indirect_dma source(%dma_start3A_96 : memref<10000x128xf32, #tpu.memory_space<hbm>>) target(%arg10 : memref<128x128xf32, #tpu.memory_space<vmem>>) offsets(%dma_start3A_93 : memref<128xi32, #tpu.memory_space<vmem>>) semaphore(%arg12 : memref<!tpu.dma_semaphore, #tpu.memory_space<semaphore_mem>>)
      %add3A_97 = arith.constant 1 : i32
      %add3A_98 = arith.addi %mul3A_82, %add3A_97 : i32
      %dma_wait3A_99 = arith.constant 0 : i32
      %dma_wait3A_100 = tpu.memref_slice %arg8[%add3A_98, %dma_wait3A_99] : memref<40x128xi32, #tpu.memory_space<vmem>> -> memref<1x128xi32, #tpu.memory_space<vmem>>
      %dma_wait3A_101 = tpu.memref_squeeze %dma_wait3A_100 : memref<1x128xi32, #tpu.memory_space<vmem>> -> memref<128xi32, #tpu.memory_space<vmem>>
      %dma_wait3A_102 = arith.constant 0 : i32
      %dma_wait3A_103 = arith.constant 0 : i32
      %dma_wait3A_104 = tpu.memref_slice %arg2[%dma_wait3A_102, %dma_wait3A_103] : memref<10000x128xf32, #tpu.memory_space<hbm>> -> memref<10000x128xf32, #tpu.memory_space<hbm>>
      tpu.wait_indirect_dma semaphore(%arg13 : memref<!tpu.dma_semaphore, #tpu.memory_space<semaphore_mem>>) src(%dma_wait3A_104 : memref<10000x128xf32, #tpu.memory_space<hbm>>) dst(%arg11 : memref<128x128xf32, #tpu.memory_space<vmem>>)
      %add3A_105 = arith.constant 1 : i32
      %add3A_106 = arith.addi %mul3A_82, %add3A_105 : i32
      "tpu.region"() ({
        %run_scoped3A_115 = tpu.sem_alloc : memref<!tpu.dma_semaphore, #tpu.memory_space<semaphore_mem>>
        %dma_start3A_116 = arith.constant 0 : i32
        %dma_start3A_117 = tpu.memref_slice %arg9[%add3A_106, %dma_start3A_116] : memref<40x128xi32, #tpu.memory_space<vmem>> -> memref<1x128xi32, #tpu.memory_space<vmem>>
        %dma_start3A_118 = tpu.memref_squeeze %dma_start3A_117 : memref<1x128xi32, #tpu.memory_space<vmem>> -> memref<128xi32, #tpu.memory_space<vmem>>
        %dma_start3A_119 = arith.constant 0 : i32
        %dma_start3A_120 = arith.constant 0 : i32
        %dma_start3A_121 = tpu.memref_slice %arg7[%dma_start3A_119, %dma_start3A_120] : memref<10112x128xf32, #tpu.memory_space<vmem_shared>> -> memref<10112x128xf32, #tpu.memory_space<vmem_shared>>
        tpu.enqueue_indirect_dma source(%arg11 : memref<128x128xf32, #tpu.memory_space<vmem>>) target(%dma_start3A_121 : memref<10112x128xf32, #tpu.memory_space<vmem_shared>>) offsets(%dma_start3A_118 : memref<128xi32, #tpu.memory_space<vmem>>) semaphore(%run_scoped3A_115 : memref<!tpu.dma_semaphore, #tpu.memory_space<semaphore_mem>>) {add = true}
        %dma_wait3A_122 = arith.constant 0 : i32
        %dma_wait3A_123 = tpu.memref_slice %arg9[%add3A_106, %dma_wait3A_122] : memref<40x128xi32, #tpu.memory_space<vmem>> -> memref<1x128xi32, #tpu.memory_space<vmem>>
        %dma_wait3A_124 = tpu.memref_squeeze %dma_wait3A_123 : memref<1x128xi32, #tpu.memory_space<vmem>> -> memref<128xi32, #tpu.memory_space<vmem>>
        %dma_wait3A_125 = arith.constant 0 : i32
        %dma_wait3A_126 = arith.constant 0 : i32
        %dma_wait3A_127 = tpu.memref_slice %arg7[%dma_wait3A_125, %dma_wait3A_126] : memref<10112x128xf32, #tpu.memory_space<vmem_shared>> -> memref<10112x128xf32, #tpu.memory_space<vmem_shared>>
        tpu.wait_indirect_dma semaphore(%run_scoped3A_115 : memref<!tpu.dma_semaphore, #tpu.memory_space<semaphore_mem>>) src(%arg11 : memref<128x128xf32, #tpu.memory_space<vmem>>) dst(%dma_wait3A_127 : memref<10112x128xf32, #tpu.memory_space<vmem_shared>>)
        tpu.yield
      }) : () -> ()
      %add3A_107 = arith.constant 3 : i32
      %add3A_108 = arith.addi %mul3A_82, %add3A_107 : i32
      %dma_start3A_109 = arith.constant 0 : i32
      %dma_start3A_110 = tpu.memref_slice %arg8[%add3A_108, %dma_start3A_109] : memref<40x128xi32, #tpu.memory_space<vmem>> -> memref<1x128xi32, #tpu.memory_space<vmem>>
      %dma_start3A_111 = tpu.memref_squeeze %dma_start3A_110 : memref<1x128xi32, #tpu.memory_space<vmem>> -> memref<128xi32, #tpu.memory_space<vmem>>
      %dma_start3A_112 = arith.constant 0 : i32
      %dma_start3A_113 = arith.constant 0 : i32
      %dma_start3A_114 = tpu.memref_slice %arg2[%dma_start3A_112, %dma_start3A_113] : memref<10000x128xf32, #tpu.memory_space<hbm>> -> memref<10000x128xf32, #tpu.memory_space<hbm>>
      tpu.enqueue_indirect_dma source(%dma_start3A_114 : memref<10000x128xf32, #tpu.memory_space<hbm>>) target(%arg11 : memref<128x128xf32, #tpu.memory_space<vmem>>) offsets(%dma_start3A_111 : memref<128xi32, #tpu.memory_space<vmem>>) semaphore(%arg13 : memref<!tpu.dma_semaphore, #tpu.memory_space<semaphore_mem>>)
    }
    %scan3A_54 = arith.constant 19 : i32
    %dma_wait3A_55 = arith.constant 38 : i32
    %dma_wait3A_56 = arith.constant 0 : i32
    %dma_wait3A_57 = tpu.memref_slice %arg8[%dma_wait3A_55, %dma_wait3A_56] : memref<40x128xi32, #tpu.memory_space<vmem>> -> memref<1x128xi32, #tpu.memory_space<vmem>>
    %dma_wait3A_58 = tpu.memref_squeeze %dma_wait3A_57 : memref<1x128xi32, #tpu.memory_space<vmem>> -> memref<128xi32, #tpu.memory_space<vmem>>
    %dma_wait3A_59 = arith.constant 0 : i32
    %dma_wait3A_60 = arith.constant 0 : i32
    %dma_wait3A_61 = tpu.memref_slice %arg2[%dma_wait3A_59, %dma_wait3A_60] : memref<10000x128xf32, #tpu.memory_space<hbm>> -> memref<10000x128xf32, #tpu.memory_space<hbm>>
    tpu.wait_indirect_dma semaphore(%arg12 : memref<!tpu.dma_semaphore, #tpu.memory_space<semaphore_mem>>) src(%dma_wait3A_61 : memref<10000x128xf32, #tpu.memory_space<hbm>>) dst(%arg10 : memref<128x128xf32, #tpu.memory_space<vmem>>)
    %run_scoped3A_62 = arith.constant 38 : i32
    "tpu.region"() ({
      %run_scoped3A_80 = tpu.sem_alloc : memref<!tpu.dma_semaphore, #tpu.memory_space<semaphore_mem>>
      %dma_start3A_81 = arith.constant 0 : i32
      %dma_start3A_82 = tpu.memref_slice %arg9[%run_scoped3A_62, %dma_start3A_81] : memref<40x128xi32, #tpu.memory_space<vmem>> -> memref<1x128xi32, #tpu.memory_space<vmem>>
      %dma_start3A_83 = tpu.memref_squeeze %dma_start3A_82 : memref<1x128xi32, #tpu.memory_space<vmem>> -> memref<128xi32, #tpu.memory_space<vmem>>
      %dma_start3A_84 = arith.constant 0 : i32
      %dma_start3A_85 = arith.constant 0 : i32
      %dma_start3A_86 = tpu.memref_slice %arg7[%dma_start3A_84, %dma_start3A_85] : memref<10112x128xf32, #tpu.memory_space<vmem_shared>> -> memref<10112x128xf32, #tpu.memory_space<vmem_shared>>
      tpu.enqueue_indirect_dma source(%arg10 : memref<128x128xf32, #tpu.memory_space<vmem>>) target(%dma_start3A_86 : memref<10112x128xf32, #tpu.memory_space<vmem_shared>>) offsets(%dma_start3A_83 : memref<128xi32, #tpu.memory_space<vmem>>) semaphore(%run_scoped3A_80 : memref<!tpu.dma_semaphore, #tpu.memory_space<semaphore_mem>>) {add = true}
      %dma_wait3A_87 = arith.constant 0 : i32
      %dma_wait3A_88 = tpu.memref_slice %arg9[%run_scoped3A_62, %dma_wait3A_87] : memref<40x128xi32, #tpu.memory_space<vmem>> -> memref<1x128xi32, #tpu.memory_space<vmem>>
      %dma_wait3A_89 = tpu.memref_squeeze %dma_wait3A_88 : memref<1x128xi32, #tpu.memory_space<vmem>> -> memref<128xi32, #tpu.memory_space<vmem>>
      %dma_wait3A_90 = arith.constant 0 : i32
      %dma_wait3A_91 = arith.constant 0 : i32
      %dma_wait3A_92 = tpu.memref_slice %arg7[%dma_wait3A_90, %dma_wait3A_91] : memref<10112x128xf32, #tpu.memory_space<vmem_shared>> -> memref<10112x128xf32, #tpu.memory_space<vmem_shared>>
      tpu.wait_indirect_dma semaphore(%run_scoped3A_80 : memref<!tpu.dma_semaphore, #tpu.memory_space<semaphore_mem>>) src(%arg10 : memref<128x128xf32, #tpu.memory_space<vmem>>) dst(%dma_wait3A_92 : memref<10112x128xf32, #tpu.memory_space<vmem_shared>>)
      tpu.yield
    }) : () -> ()
    %dma_wait3A_63 = arith.constant 39 : i32
    %dma_wait3A_64 = arith.constant 0 : i32
    %dma_wait3A_65 = tpu.memref_slice %arg8[%dma_wait3A_63, %dma_wait3A_64] : memref<40x128xi32, #tpu.memory_space<vmem>> -> memref<1x128xi32, #tpu.memory_space<vmem>>
    %dma_wait3A_66 = tpu.memref_squeeze %dma_wait3A_65 : memref<1x128xi32, #tpu.memory_space<vmem>> -> memref<128xi32, #tpu.memory_space<vmem>>
    %dma_wait3A_67 = arith.constant 0 : i32
    %dma_wait3A_68 = arith.constant 0 : i32
    %dma_wait3A_69 = tpu.memref_slice %arg2[%dma_wait3A_67, %dma_wait3A_68] : memref<10000x128xf32, #tpu.memory_space<hbm>> -> memref<10000x128xf32, #tpu.memory_space<hbm>>
    tpu.wait_indirect_dma semaphore(%arg13 : memref<!tpu.dma_semaphore, #tpu.memory_space<semaphore_mem>>) src(%dma_wait3A_69 : memref<10000x128xf32, #tpu.memory_space<hbm>>) dst(%arg11 : memref<128x128xf32, #tpu.memory_space<vmem>>)
    %run_scoped3A_70 = arith.constant 39 : i32
    "tpu.region"() ({
      %run_scoped3A_80 = tpu.sem_alloc : memref<!tpu.dma_semaphore, #tpu.memory_space<semaphore_mem>>
      %dma_start3A_81 = arith.constant 0 : i32
      %dma_start3A_82 = tpu.memref_slice %arg9[%run_scoped3A_70, %dma_start3A_81] : memref<40x128xi32, #tpu.memory_space<vmem>> -> memref<1x128xi32, #tpu.memory_space<vmem>>
      %dma_start3A_83 = tpu.memref_squeeze %dma_start3A_82 : memref<1x128xi32, #tpu.memory_space<vmem>> -> memref<128xi32, #tpu.memory_space<vmem>>
      %dma_start3A_84 = arith.constant 0 : i32
      %dma_start3A_85 = arith.constant 0 : i32
      %dma_start3A_86 = tpu.memref_slice %arg7[%dma_start3A_84, %dma_start3A_85] : memref<10112x128xf32, #tpu.memory_space<vmem_shared>> -> memref<10112x128xf32, #tpu.memory_space<vmem_shared>>
      tpu.enqueue_indirect_dma source(%arg11 : memref<128x128xf32, #tpu.memory_space<vmem>>) target(%dma_start3A_86 : memref<10112x128xf32, #tpu.memory_space<vmem_shared>>) offsets(%dma_start3A_83 : memref<128xi32, #tpu.memory_space<vmem>>) semaphore(%run_scoped3A_80 : memref<!tpu.dma_semaphore, #tpu.memory_space<semaphore_mem>>) {add = true}
      %dma_wait3A_87 = arith.constant 0 : i32
      %dma_wait3A_88 = tpu.memref_slice %arg9[%run_scoped3A_70, %dma_wait3A_87] : memref<40x128xi32, #tpu.memory_space<vmem>> -> memref<1x128xi32, #tpu.memory_space<vmem>>
      %dma_wait3A_89 = tpu.memref_squeeze %dma_wait3A_88 : memref<1x128xi32, #tpu.memory_space<vmem>> -> memref<128xi32, #tpu.memory_space<vmem>>
      %dma_wait3A_90 = arith.constant 0 : i32
      %dma_wait3A_91 = arith.constant 0 : i32
      %dma_wait3A_92 = tpu.memref_slice %arg7[%dma_wait3A_90, %dma_wait3A_91] : memref<10112x128xf32, #tpu.memory_space<vmem_shared>> -> memref<10112x128xf32, #tpu.memory_space<vmem_shared>>
      tpu.wait_indirect_dma semaphore(%run_scoped3A_80 : memref<!tpu.dma_semaphore, #tpu.memory_space<semaphore_mem>>) src(%arg11 : memref<128x128xf32, #tpu.memory_space<vmem>>) dst(%dma_wait3A_92 : memref<10112x128xf32, #tpu.memory_space<vmem_shared>>)
      tpu.yield
    }) : () -> ()
    %barrier3A_71 = arith.constant 0 : index
    tpu.barrier barrier_id(%barrier3A_71)
    %mul3A_72 = arith.constant 632 : i32
    %mul3A_73 = arith.muli %arg1, %mul3A_72 : i32
    %lt3A = arith.constant 15 : i32
    %lt3A_74 = arith.cmpi slt, %arg1, %lt3A : i32
    %convert_element_type3A = arith.extui %lt3A_74 : i1 to i32
    %cond3A = arith.constant 0 : i32
    %cond3A_75 = arith.cmpi ne, %convert_element_type3A, %cond3A : i32
    scf.if %cond3A_75 {
      "tpu.region"() ({
        %run_scoped3A_80 = tpu.sem_alloc : memref<!tpu.dma_semaphore, #tpu.memory_space<semaphore_mem>>
        %dma_start3A_81 = arith.constant 0 : i32
        %dma_start3A_82 = tpu.memref_slice %arg6[%arg0, %mul3A_73, %dma_start3A_81] : memref<2x10000x128xf32, #tpu.memory_space<hbm>> -> memref<1x632x128xf32, #tpu.memory_space<hbm>>
        %dma_start3A_83 = tpu.memref_squeeze %dma_start3A_82 : memref<1x632x128xf32, #tpu.memory_space<hbm>> -> memref<632x128xf32, #tpu.memory_space<hbm>>
        %dma_start3A_84 = arith.constant 0 : i32
        %dma_start3A_85 = tpu.memref_slice %arg7[%mul3A_73, %dma_start3A_84] : memref<10112x128xf32, #tpu.memory_space<vmem_shared>> -> memref<632x128xf32, #tpu.memory_space<vmem_shared>>
        tpu.enqueue_dma source(%dma_start3A_85 : memref<632x128xf32, #tpu.memory_space<vmem_shared>>) target(%dma_start3A_83 : memref<632x128xf32, #tpu.memory_space<hbm>>) target_semaphore(%run_scoped3A_80 : memref<!tpu.dma_semaphore, #tpu.memory_space<semaphore_mem>>)
        %dma_wait3A_86 = arith.constant 0 : i32
        %dma_wait3A_87 = tpu.memref_slice %arg6[%arg0, %mul3A_73, %dma_wait3A_86] : memref<2x10000x128xf32, #tpu.memory_space<hbm>> -> memref<1x632x128xf32, #tpu.memory_space<hbm>>
        %dma_wait3A_88 = tpu.memref_squeeze %dma_wait3A_87 : memref<1x632x128xf32, #tpu.memory_space<hbm>> -> memref<632x128xf32, #tpu.memory_space<hbm>>
        %dma_wait3A_89 = arith.constant 0 : i32
        %dma_wait3A_90 = tpu.memref_slice %arg7[%mul3A_73, %dma_wait3A_89] : memref<10112x128xf32, #tpu.memory_space<vmem_shared>> -> memref<632x128xf32, #tpu.memory_space<vmem_shared>>
        tpu.wait_dma2 semaphore(%run_scoped3A_80 : memref<!tpu.dma_semaphore, #tpu.memory_space<semaphore_mem>>) src(%dma_wait3A_90 : memref<632x128xf32, #tpu.memory_space<vmem_shared>>) dst(%dma_wait3A_88 : memref<632x128xf32, #tpu.memory_space<hbm>>)
        tpu.yield
      }) : () -> ()
    } else {
    }
    %eq3A = arith.constant 15 : i32
    %eq3A_76 = arith.cmpi eq, %arg1, %eq3A : i32
    %convert_element_type3A_77 = arith.extui %eq3A_76 : i1 to i32
    %cond3A_78 = arith.constant 0 : i32
    %cond3A_79 = arith.cmpi ne, %convert_element_type3A_77, %cond3A_78 : i32
    scf.if %cond3A_79 {
      "tpu.region"() ({
        %run_scoped3A_80 = tpu.sem_alloc : memref<!tpu.dma_semaphore, #tpu.memory_space<semaphore_mem>>
        %dma_start3A_81 = arith.constant 0 : i32
        %dma_start3A_82 = tpu.memref_slice %arg6[%arg0, %mul3A_73, %dma_start3A_81] : memref<2x10000x128xf32, #tpu.memory_space<hbm>> -> memref<1x520x128xf32, #tpu.memory_space<hbm>>
        %dma_start3A_83 = tpu.memref_squeeze %dma_start3A_82 : memref<1x520x128xf32, #tpu.memory_space<hbm>> -> memref<520x128xf32, #tpu.memory_space<hbm>>
        %dma_start3A_84 = arith.constant 0 : i32
        %dma_start3A_85 = tpu.memref_slice %arg7[%mul3A_73, %dma_start3A_84] : memref<10112x128xf32, #tpu.memory_space<vmem_shared>> -> memref<520x128xf32, #tpu.memory_space<vmem_shared>>
        tpu.enqueue_dma source(%dma_start3A_85 : memref<520x128xf32, #tpu.memory_space<vmem_shared>>) target(%dma_start3A_83 : memref<520x128xf32, #tpu.memory_space<hbm>>) target_semaphore(%run_scoped3A_80 : memref<!tpu.dma_semaphore, #tpu.memory_space<semaphore_mem>>)
        %dma_wait3A_86 = arith.constant 0 : i32
        %dma_wait3A_87 = tpu.memref_slice %arg6[%arg0, %mul3A_73, %dma_wait3A_86] : memref<2x10000x128xf32, #tpu.memory_space<hbm>> -> memref<1x520x128xf32, #tpu.memory_space<hbm>>
        %dma_wait3A_88 = tpu.memref_squeeze %dma_wait3A_87 : memref<1x520x128xf32, #tpu.memory_space<hbm>> -> memref<520x128xf32, #tpu.memory_space<hbm>>
        %dma_wait3A_89 = arith.constant 0 : i32
        %dma_wait3A_90 = tpu.memref_slice %arg7[%mul3A_73, %dma_wait3A_89] : memref<10112x128xf32, #tpu.memory_space<vmem_shared>> -> memref<520x128xf32, #tpu.memory_space<vmem_shared>>
        tpu.wait_dma2 semaphore(%run_scoped3A_80 : memref<!tpu.dma_semaphore, #tpu.memory_space<semaphore_mem>>) src(%dma_wait3A_90 : memref<520x128xf32, #tpu.memory_space<vmem_shared>>) dst(%dma_wait3A_88 : memref<520x128xf32, #tpu.memory_space<hbm>>)
        tpu.yield
      }) : () -> ()
    } else {
    }
    return
  }
}

module attributes {stable_mosaic.version = 14 : i64} {
  func.func @body(%arg0: i32, %arg1: memref<1000x128xf32, #tpu.memory_space<vmem>>, %arg2: memref<2x1000x128xf32, #tpu.memory_space<vmem>>, %arg3: memref<1x1xf32, #tpu.memory_space<vmem>>, %arg4: memref<128x128xf32, #tpu.memory_space<vmem>>, %arg5: memref<1x128xf32, #tpu.memory_space<vmem>>, %arg6: memref<128x128xf32, #tpu.memory_space<vmem>>, %arg7: memref<1x128xf32, #tpu.memory_space<vmem>>, %arg8: memref<1000x128xf32, #tpu.memory_space<vmem>>) attributes {dimension_semantics = [#tpu.dimension_semantics<arbitrary>], iteration_bounds = array<i64: 10>, scalar_prefetch = 0 : i64, scratch_operands = 0 : i64, tpu.core_type = #tpu.core_type<tc>, window_params = [{transform_indices = @transform_0, window_bounds = array<i64: 1000, 128>}, {transform_indices = @transform_1, window_bounds = array<i64: 2, 1000, 128>}, {pipeline_mode = #tpu.pipeline_mode<synchronous>, transform_indices = @transform_2, window_bounds = array<i64: 1, 1>}, {pipeline_mode = #tpu.pipeline_mode<synchronous>, transform_indices = @transform_3, window_bounds = array<i64: 128, 128>}, {pipeline_mode = #tpu.pipeline_mode<synchronous>, transform_indices = @transform_4, window_bounds = array<i64: 1, 128>}, {pipeline_mode = #tpu.pipeline_mode<synchronous>, transform_indices = @transform_5, window_bounds = array<i64: 128, 128>}, {pipeline_mode = #tpu.pipeline_mode<synchronous>, transform_indices = @transform_6, window_bounds = array<i64: 1, 128>}, {transform_indices = @transform_7, window_bounds = array<i64: 1000, 128>}]} {
    %get3A = arith.constant 0 : index
    %get3A_0 = arith.constant 0 : index
    %get3A_1 = vector.load %arg3[%get3A, %get3A_0] : memref<1x1xf32, #tpu.memory_space<vmem>>, vector<1x1xf32>
    %get3A_2 = vector.extract %get3A_1[0, 0] : f32 from vector<1x1xf32>
    %get3A_3 = arith.constant 0 : index
    %get3A_4 = arith.constant 0 : index
    %get3A_5 = vector.load %arg1[%get3A_3, %get3A_4] : memref<1000x128xf32, #tpu.memory_space<vmem>>, vector<1000x128xf32>
    %mul3A = vector.broadcast %get3A_2 : f32 to vector<1000x128xf32>
    %mul3A_6 = arith.mulf %mul3A, %get3A_5 : vector<1000x128xf32>
    %get3A_7 = arith.constant 0 : index
    %get3A_8 = arith.constant 0 : index
    %get3A_9 = arith.constant 0 : index
    %get3A_10 = vector.load %arg2[%get3A_7, %get3A_8, %get3A_9] : memref<2x1000x128xf32, #tpu.memory_space<vmem>>, vector<1x1000x128xf32>
    %get3A_11 = vector.shape_cast %get3A_10 : vector<1x1000x128xf32> to vector<1000x128xf32>
    %add3A = arith.addf %mul3A_6, %get3A_11 : vector<1000x128xf32>
    %get3A_12 = arith.constant 1 : index
    %get3A_13 = arith.constant 0 : index
    %get3A_14 = arith.constant 0 : index
    %get3A_15 = vector.load %arg2[%get3A_12, %get3A_13, %get3A_14] : memref<2x1000x128xf32, #tpu.memory_space<vmem>>, vector<1x1000x128xf32>
    %get3A_16 = vector.shape_cast %get3A_15 : vector<1x1000x128xf32> to vector<1000x128xf32>
    %add3A_17 = arith.addf %add3A, %get3A_16 : vector<1000x128xf32>
    %get3A_18 = arith.constant 0 : index
    %get3A_19 = arith.constant 0 : index
    %get3A_20 = vector.load %arg4[%get3A_18, %get3A_19] : memref<128x128xf32, #tpu.memory_space<vmem>>, vector<128x128xf32>
    %dot_general3A = arith.constant dense<0.000000e+00> : vector<1000x128xf32>
    %dot_general3A_21 = tpu.matmul %add3A_17, %get3A_20, %dot_general3A {dimension_numbers = #tpu.dot_dimension_numbers<[1], [0], [0], [1], [0, 0, 1, 1], [], []>, transpose_lhs_hint = false} : vector<1000x128xf32>, vector<128x128xf32>, vector<1000x128xf32> -> vector<1000x128xf32>
    %get3A_22 = arith.constant 0 : index
    %get3A_23 = arith.constant 0 : index
    %get3A_24 = vector.load %arg5[%get3A_22, %get3A_23] : memref<1x128xf32, #tpu.memory_space<vmem>>, vector<1x128xf32>
    %add3A_25 = vector.broadcast %get3A_24 : vector<1x128xf32> to vector<1000x128xf32>
    %add3A_26 = arith.addf %dot_general3A_21, %add3A_25 : vector<1000x128xf32>
    %max3A = arith.constant 0.000000e+00 : f32
    %max3A_27 = vector.broadcast %max3A : f32 to vector<1000x128xf32>
    %max3A_28 = arith.maximumf %add3A_26, %max3A_27 : vector<1000x128xf32>
    %get3A_29 = arith.constant 0 : index
    %get3A_30 = arith.constant 0 : index
    %get3A_31 = vector.load %arg6[%get3A_29, %get3A_30] : memref<128x128xf32, #tpu.memory_space<vmem>>, vector<128x128xf32>
    %dot_general3A_32 = arith.constant dense<0.000000e+00> : vector<1000x128xf32>
    %dot_general3A_33 = tpu.matmul %max3A_28, %get3A_31, %dot_general3A_32 {dimension_numbers = #tpu.dot_dimension_numbers<[1], [0], [0], [1], [0, 0, 1, 1], [], []>, transpose_lhs_hint = false} : vector<1000x128xf32>, vector<128x128xf32>, vector<1000x128xf32> -> vector<1000x128xf32>
    %get3A_34 = arith.constant 0 : index
    %get3A_35 = arith.constant 0 : index
    %get3A_36 = vector.load %arg7[%get3A_34, %get3A_35] : memref<1x128xf32, #tpu.memory_space<vmem>>, vector<1x128xf32>
    %add3A_37 = vector.broadcast %get3A_36 : vector<1x128xf32> to vector<1000x128xf32>
    %add3A_38 = arith.addf %dot_general3A_33, %add3A_37 : vector<1000x128xf32>
    %max3A_39 = arith.constant 0.000000e+00 : f32
    %max3A_40 = vector.broadcast %max3A_39 : f32 to vector<1000x128xf32>
    %max3A_41 = arith.maximumf %add3A_38, %max3A_40 : vector<1000x128xf32>
    %swap3A = arith.constant 0 : index
    %swap3A_42 = arith.constant 0 : index
    %swap3A_43 = vector.load %arg8[%swap3A, %swap3A_42] : memref<1000x128xf32, #tpu.memory_space<vmem>>, vector<1000x128xf32>
    tpu.vector_store %arg8[%swap3A, %swap3A_42], %max3A_41 {strides = array<i32>} : memref<1000x128xf32, #tpu.memory_space<vmem>>, vector<1000x128xf32>,
    return
  }
  func.func @transform_0(%arg0: i32) -> (i32, i32) {
    %c0_i32 = arith.constant 0 : i32
    %c0_i32_0 = arith.constant 0 : i32
    return %arg0, %c0_i32 : i32, i32
  }
  func.func @transform_1(%arg0: i32) -> (i32, i32, i32) {
    %c0_i32 = arith.constant 0 : i32
    %c0_i32_0 = arith.constant 0 : i32
    %c0_i32_1 = arith.constant 0 : i32
    return %c0_i32, %arg0, %c0_i32_0 : i32, i32, i32
  }
  func.func @transform_2(%arg0: i32) -> (i32, i32) {
    %c0_i32 = arith.constant 0 : i32
    %c0_i32_0 = arith.constant 0 : i32
    %c0_i32_1 = arith.constant 0 : i32
    return %c0_i32, %c0_i32_0 : i32, i32
  }
  func.func @transform_3(%arg0: i32) -> (i32, i32) {
    %c0_i32 = arith.constant 0 : i32
    %c0_i32_0 = arith.constant 0 : i32
    %c0_i32_1 = arith.constant 0 : i32
    return %c0_i32, %c0_i32_0 : i32, i32
  }
  func.func @transform_4(%arg0: i32) -> (i32, i32) {
    %c0_i32 = arith.constant 0 : i32
    %c0_i32_0 = arith.constant 0 : i32
    %c0_i32_1 = arith.constant 0 : i32
    return %c0_i32, %c0_i32_0 : i32, i32
  }
  func.func @transform_5(%arg0: i32) -> (i32, i32) {
    %c0_i32 = arith.constant 0 : i32
    %c0_i32_0 = arith.constant 0 : i32
    %c0_i32_1 = arith.constant 0 : i32
    return %c0_i32, %c0_i32_0 : i32, i32
  }
  func.func @transform_6(%arg0: i32) -> (i32, i32) {
    %c0_i32 = arith.constant 0 : i32
    %c0_i32_0 = arith.constant 0 : i32
    %c0_i32_1 = arith.constant 0 : i32
    return %c0_i32, %c0_i32_0 : i32, i32
  }
  func.func @transform_7(%arg0: i32) -> (i32, i32) {
    %c0_i32 = arith.constant 0 : i32
    %c0_i32_0 = arith.constant 0 : i32
    return %arg0, %c0_i32 : i32, i32
  }
}

module attributes {stable_mosaic.version = 14 : i64} {
  func.func @body(%arg0: i32, %arg1: memref<1000x128xf32, #tpu.memory_space<vmem>>, %arg2: memref<2x1000x128xf32, #tpu.memory_space<vmem>>, %arg3: memref<1x1xf32, #tpu.memory_space<vmem>>, %arg4: memref<128x128xf32, #tpu.memory_space<vmem>>, %arg5: memref<1x128xf32, #tpu.memory_space<vmem>>, %arg6: memref<128x128xf32, #tpu.memory_space<vmem>>, %arg7: memref<1x128xf32, #tpu.memory_space<vmem>>, %arg8: memref<1000x128xf32, #tpu.memory_space<vmem>>) attributes {dimension_semantics = [#tpu.dimension_semantics<arbitrary>], iteration_bounds = array<i64: 10>, scalar_prefetch = 0 : i64, scratch_operands = 0 : i64, tpu.core_type = #tpu.core_type<tc>, window_params = [{transform_indices = @transform_0, window_bounds = array<i64: 1000, 128>}, {transform_indices = @transform_1, window_bounds = array<i64: 2, 1000, 128>}, {pipeline_mode = #tpu.pipeline_mode<synchronous>, transform_indices = @transform_2, window_bounds = array<i64: 1, 1>}, {pipeline_mode = #tpu.pipeline_mode<synchronous>, transform_indices = @transform_3, window_bounds = array<i64: 128, 128>}, {pipeline_mode = #tpu.pipeline_mode<synchronous>, transform_indices = @transform_4, window_bounds = array<i64: 1, 128>}, {pipeline_mode = #tpu.pipeline_mode<synchronous>, transform_indices = @transform_5, window_bounds = array<i64: 128, 128>}, {pipeline_mode = #tpu.pipeline_mode<synchronous>, transform_indices = @transform_6, window_bounds = array<i64: 1, 128>}, {transform_indices = @transform_7, window_bounds = array<i64: 1000, 128>}]} {
    %get3A = arith.constant 0 : index
    %get3A_0 = arith.constant 0 : index
    %get3A_1 = vector.load %arg3[%get3A, %get3A_0] : memref<1x1xf32, #tpu.memory_space<vmem>>, vector<1x1xf32>
    %get3A_2 = vector.extract %get3A_1[0, 0] : f32 from vector<1x1xf32>
    %get3A_3 = arith.constant 0 : index
    %get3A_4 = arith.constant 0 : index
    %get3A_5 = vector.load %arg1[%get3A_3, %get3A_4] : memref<1000x128xf32, #tpu.memory_space<vmem>>, vector<1000x128xf32>
    %mul3A = vector.broadcast %get3A_2 : f32 to vector<1000x128xf32>
    %mul3A_6 = arith.mulf %mul3A, %get3A_5 : vector<1000x128xf32>
    %get3A_7 = arith.constant 0 : index
    %get3A_8 = arith.constant 0 : index
    %get3A_9 = arith.constant 0 : index
    %get3A_10 = vector.load %arg2[%get3A_7, %get3A_8, %get3A_9] : memref<2x1000x128xf32, #tpu.memory_space<vmem>>, vector<1x1000x128xf32>
    %get3A_11 = vector.shape_cast %get3A_10 : vector<1x1000x128xf32> to vector<1000x128xf32>
    %add3A = arith.addf %mul3A_6, %get3A_11 : vector<1000x128xf32>
    %get3A_12 = arith.constant 1 : index
    %get3A_13 = arith.constant 0 : index
    %get3A_14 = arith.constant 0 : index
    %get3A_15 = vector.load %arg2[%get3A_12, %get3A_13, %get3A_14] : memref<2x1000x128xf32, #tpu.memory_space<vmem>>, vector<1x1000x128xf32>
    %get3A_16 = vector.shape_cast %get3A_15 : vector<1x1000x128xf32> to vector<1000x128xf32>
    %add3A_17 = arith.addf %add3A, %get3A_16 : vector<1000x128xf32>
    %get3A_18 = arith.constant 0 : index
    %get3A_19 = arith.constant 0 : index
    %get3A_20 = vector.load %arg4[%get3A_18, %get3A_19] : memref<128x128xf32, #tpu.memory_space<vmem>>, vector<128x128xf32>
    %dot_general3A = arith.constant dense<0.000000e+00> : vector<1000x128xf32>
    %dot_general3A_21 = tpu.matmul %add3A_17, %get3A_20, %dot_general3A {dimension_numbers = #tpu.dot_dimension_numbers<[1], [0], [0], [1], [0, 0, 1, 1], [], []>, transpose_lhs_hint = false} : vector<1000x128xf32>, vector<128x128xf32>, vector<1000x128xf32> -> vector<1000x128xf32>
    %get3A_22 = arith.constant 0 : index
    %get3A_23 = arith.constant 0 : index
    %get3A_24 = vector.load %arg5[%get3A_22, %get3A_23] : memref<1x128xf32, #tpu.memory_space<vmem>>, vector<1x128xf32>
    %add3A_25 = vector.broadcast %get3A_24 : vector<1x128xf32> to vector<1000x128xf32>
    %add3A_26 = arith.addf %dot_general3A_21, %add3A_25 : vector<1000x128xf32>
    %max3A = arith.constant 0.000000e+00 : f32
    %max3A_27 = vector.broadcast %max3A : f32 to vector<1000x128xf32>
    %max3A_28 = arith.maximumf %add3A_26, %max3A_27 : vector<1000x128xf32>
    %get3A_29 = arith.constant 0 : index
    %get3A_30 = arith.constant 0 : index
    %get3A_31 = vector.load %arg6[%get3A_29, %get3A_30] : memref<128x128xf32, #tpu.memory_space<vmem>>, vector<128x128xf32>
    %dot_general3A_32 = arith.constant dense<0.000000e+00> : vector<1000x128xf32>
    %dot_general3A_33 = tpu.matmul %max3A_28, %get3A_31, %dot_general3A_32 {dimension_numbers = #tpu.dot_dimension_numbers<[1], [0], [0], [1], [0, 0, 1, 1], [], []>, transpose_lhs_hint = false} : vector<1000x128xf32>, vector<128x128xf32>, vector<1000x128xf32> -> vector<1000x128xf32>
    %get3A_34 = arith.constant 0 : index
    %get3A_35 = arith.constant 0 : index
    %get3A_36 = vector.load %arg7[%get3A_34, %get3A_35] : memref<1x128xf32, #tpu.memory_space<vmem>>, vector<1x128xf32>
    %add3A_37 = vector.broadcast %get3A_36 : vector<1x128xf32> to vector<1000x128xf32>
    %add3A_38 = arith.addf %dot_general3A_33, %add3A_37 : vector<1000x128xf32>
    %swap3A = arith.constant 0 : index
    %swap3A_39 = arith.constant 0 : index
    %swap3A_40 = vector.load %arg8[%swap3A, %swap3A_39] : memref<1000x128xf32, #tpu.memory_space<vmem>>, vector<1000x128xf32>
    tpu.vector_store %arg8[%swap3A, %swap3A_39], %add3A_38 {strides = array<i32>} : memref<1000x128xf32, #tpu.memory_space<vmem>>, vector<1000x128xf32>,
    return
  }
  func.func @transform_0(%arg0: i32) -> (i32, i32) {
    %c0_i32 = arith.constant 0 : i32
    %c0_i32_0 = arith.constant 0 : i32
    return %arg0, %c0_i32 : i32, i32
  }
  func.func @transform_1(%arg0: i32) -> (i32, i32, i32) {
    %c0_i32 = arith.constant 0 : i32
    %c0_i32_0 = arith.constant 0 : i32
    %c0_i32_1 = arith.constant 0 : i32
    return %c0_i32, %arg0, %c0_i32_0 : i32, i32, i32
  }
  func.func @transform_2(%arg0: i32) -> (i32, i32) {
    %c0_i32 = arith.constant 0 : i32
    %c0_i32_0 = arith.constant 0 : i32
    %c0_i32_1 = arith.constant 0 : i32
    return %c0_i32, %c0_i32_0 : i32, i32
  }
  func.func @transform_3(%arg0: i32) -> (i32, i32) {
    %c0_i32 = arith.constant 0 : i32
    %c0_i32_0 = arith.constant 0 : i32
    %c0_i32_1 = arith.constant 0 : i32
    return %c0_i32, %c0_i32_0 : i32, i32
  }
  func.func @transform_4(%arg0: i32) -> (i32, i32) {
    %c0_i32 = arith.constant 0 : i32
    %c0_i32_0 = arith.constant 0 : i32
    %c0_i32_1 = arith.constant 0 : i32
    return %c0_i32, %c0_i32_0 : i32, i32
  }
  func.func @transform_5(%arg0: i32) -> (i32, i32) {
    %c0_i32 = arith.constant 0 : i32
    %c0_i32_0 = arith.constant 0 : i32
    %c0_i32_1 = arith.constant 0 : i32
    return %c0_i32, %c0_i32_0 : i32, i32
  }
  func.func @transform_6(%arg0: i32) -> (i32, i32) {
    %c0_i32 = arith.constant 0 : i32
    %c0_i32_0 = arith.constant 0 : i32
    %c0_i32_1 = arith.constant 0 : i32
    return %c0_i32, %c0_i32_0 : i32, i32
  }
  func.func @transform_7(%arg0: i32) -> (i32, i32) {
    %c0_i32 = arith.constant 0 : i32
    %c0_i32_0 = arith.constant 0 : i32
    return %arg0, %c0_i32 : i32, i32
  }
}

</mosaic_0001>

<sc_bundles>
// kernel: kernel.6.cloned.1.call-start
scs
__scs_entry_jumppad:
0x0: {  	(pc) =	sbr.rel $0x88, $3  }
0x1: {  	(tag) =	ssettag $0x0;
	lr =	simm.s32 $0x1  }
0x2: {  	[smem:$0x3F95] =	sst lr;
	_ =	strace $0xD0000000  }
0x3: {  	_ = 	snop  }
0x4: {  	_ = 	snop  }
0x5: {  	_ = 	snop  }
0x6: {  	_ = 	snop  }
0x7: {  	_ = 	snop  }
__scs_overlays_trampoline_lowered:
0x8: {  	[smem:$0x3FA4] =	sst s0  }
0x9: {  	[smem:$0x3FA5] =	sst s1  }
0xa: {  	[smem:$0x3FA6] =	sst s2  }
0xb: {  	[smem:$0x3FA7] =	sst s3  }
0xc: {  	[smem:$0x3FA8] =	sst s4  }
0xd: {  	[smem:$0x3FA9] =	sst s5  }
0xe: {  	[smem:$0x3FAA] =	sst s6  }
0xf: {  	[smem:$0x3FAB] =	sst s7  }
0x10: {  	[smem:$0x3FAC] =	sst s8  }
0x11: {  	[smem:$0x3FAD] =	sst s9;
	s0 =	simm.s32 @!p0 $0x0  }
0x12: {  	s1 =	sld [smem:$0x3F93];
	s0 =	simm.s32 @p0 $0x1  }
0x13: {  	[smem:$0x3FAE] =	sst s0;
	s0 =	simm.s32 @!p1 $0x0  }
0x14: {  	s2 =	sld [smem:$0x3F92];
	s0 =	simm.s32 @p1 $0x1  }
0x15: {  	[smem:$0x3FAF] =	sst s0;
	s0 =	simm.s32 @!p2 $0x0  }
0x16: {  	s3 =	sld [smem:$0x3FDB];
	s0 =	simm.s32 @p2 $0x1  }
0x17: {  	s4 =	simm.s32 $0x1BF5;
	[smem:$0x3FB1] =	sst s0  }
0x18: {  	s0 =	sld [smem:$0x3F94];
	_ =	swait.ge [sflag:s4], $0x0  }
0x19: {  	s7 =	sld [smem:$0x3F95]  }
0x1a: {  	s8 =	sadd.s32 $0xFFFFE003, lr  }
0x1b: {  	s9 =	sadd.s32 $0xFFFFFEF7, lr;
	s5 =	simm.s32 $0xFFFFFFFF;
	p2 =	slt.u32 s8, $0xFFFFF086  }
0x1c: {  	p1 =	slt.u32 s9, $0xF7A;
	s5 =	simm.s32 @!p2 $0x0  }
0x1d: {  	s5 =	simm.s32 @p1 $0x1;
	p0 =	seq.s32 s7, s2  }
0x1e: {  	s7 =	smul.u32 @!p0 $0xF7A, s2;
	p2 =	seq.s32 @!p0 s5, $0x0  }
0x1f: {  	s9 =	smul.u32 $0xF7A, s1;
	s8 =	simm.s32 @!p0 $0x1BF5;
	p2 =	por !p2, p0  }
0x20: {  	[sflag:s8] =	ssyncset.s32 @!p0 $0xFFFFF086;
	s6 =	sadd.s32 @!p0 s3, s7;
	s7 =	simm.s32 @!p0 $0x108  }
0x21: {  	s3 =	sadd.s32 s3, s9;
	s6 =	sadd.s32 @!p0 $0x88, s6;
	s7 =	simm.s32 @p2 $0x1082  }
0x22: {  	[simem:s7], [sflag:s8] =	dma.local @!p0 [hbm:s6], $0xF7A  }
0x23: {  	s9 =	sor.u32 $0xD0000000, s2;
	s6 =	simm.s32 $0x108;
	_ =	swait.ge @!p0 [sflag:s8], $0x0  }
0x24: {  	s3 =	sadd.s32 $0x88, s3;
	s6 =	simm.s32 @!p1 $0x1082;
	[sflag:s4] =	ssyncset.s32 $0xFFFFF086  }
0x25: {  	[simem:s6], [sflag:s4] =	dma.local [hbm:s3], $0xF7A  }
0x26: {  	[smem:$0x3F95] =	sst s1;
	(tag) =	ssettag s2;
	_ =	strace s9  }
0x27: {  	s1 =	sld [smem:$0x3FA5]  }
0x28: {  	s2 =	sld [smem:$0x3FA6]  }
0x29: {  	s4 =	sld [smem:$0x3FA8]  }
0x2a: {  	p0 =	seq.s32 s5, $0x0;
	s5 =	sld [smem:$0x3FA9]  }
0x2b: {  	s6 =	sld [smem:$0x3FAA]  }
0x2c: {  	s7 =	sld [smem:$0x3FAB]  }
0x2d: {  	s3 =	simm.s32 $0x108;
	s8 =	sld [smem:$0x3FAC]  }
0x2e: {  	s3 =	simm.s32 @!p0 $0x1082;
	s9 =	sld [smem:$0x3FAD]  }
0x2f: {  	lr =	sadd.s32 s0, s3;
	s0 =	sld [smem:$0x3FA4]  }
0x30: {  	s3 =	sld [smem:$0x3FA7]  }
0x31: {  	[smem:$0x3FB0] =	sst s10  }
0x32: {  	s10 =	sld [smem:$0x3FAE];
	_ =	sdelay $0x3  }
0x33: {  	p0 =	seq.s32 s10, $0x1;
	s10 =	sld [smem:$0x3FB0];
	_ =	sdelay $0x3  }
0x34: {  	[smem:$0x3FB0] =	sst s10  }
0x35: {  	s10 =	sld [smem:$0x3FAF];
	_ =	sdelay $0x3  }
0x36: {  	p1 =	seq.s32 s10, $0x1;
	s10 =	sld [smem:$0x3FB0];
	_ =	sdelay $0x3  }
0x37: {  	[smem:$0x3FB0] =	sst s10  }
0x38: {  	s10 =	sld [smem:$0x3FB1]  }
0x39: {  	_ = 	snop;
	(pc) =	sbr.ind lr, $3  }
0x3a: {  	_ = 	snop  }
0x3b: {  	_ = 	snop  }
0x3c: {  	p2 =	seq.s32 s10, $0x1;
	s10 =	sld [smem:$0x3FB0]  }
0x3d: {  	_ =	shalt  }
0x3e: {  	_ =	shalt  }
0x3f: {  	_ =	shalt  }
0x40: {  	_ =	shalt  }
0x41: {  	_ =	shalt  }
0x42: {  	_ =	shalt  }
0x43: {  	_ =	shalt  }
0x44: {  	_ =	shalt  }
0x45: {  	_ =	shalt  }
0x46: {  	_ =	shalt  }
0x47: {  	_ =	shalt  }
0x48: {  	_ =	shalt  }
0x49: {  	_ =	shalt  }
0x4a: {  	_ =	shalt  }
0x4b: {  	_ =	shalt  }
0x4c: {  	_ =	shalt  }
0x4d: {  	_ =	shalt  }
0x4e: {  	_ =	shalt  }
0x4f: {  	_ =	shalt  }
0x50: {  	_ =	shalt  }
0x51: {  	_ =	shalt  }
0x52: {  	_ =	shalt  }
0x53: {  	_ =	shalt  }
0x54: {  	_ =	shalt  }
0x55: {  	_ =	shalt  }
0x56: {  	_ =	shalt  }
0x57: {  	_ =	shalt  }
0x58: {  	_ =	shalt  }
0x59: {  	_ =	shalt  }
0x5a: {  	_ =	shalt  }
0x5b: {  	_ =	shalt  }
0x5c: {  	_ =	shalt  }
0x5d: {  	_ =	shalt  }
0x5e: {  	_ =	shalt  }
0x5f: {  	_ =	shalt  }
0x60: {  	_ =	shalt  }
0x61: {  	_ =	shalt  }
0x62: {  	_ =	shalt  }
0x63: {  	_ =	shalt  }
0x64: {  	_ =	shalt  }
0x65: {  	_ =	shalt  }
0x66: {  	_ =	shalt  }
0x67: {  	_ =	shalt  }
0x68: {  	_ =	shalt  }
0x69: {  	_ =	shalt  }
0x6a: {  	_ =	shalt  }
0x6b: {  	_ =	shalt  }
0x6c: {  	_ =	shalt  }
0x6d: {  	_ =	shalt  }
0x6e: {  	_ =	shalt  }
0x6f: {  	_ =	shalt  }
0x70: {  	_ =	shalt  }
0x71: {  	_ =	shalt  }
0x72: {  	_ =	shalt  }
0x73: {  	_ =	shalt  }
0x74: {  	_ =	shalt  }
0x75: {  	_ =	shalt  }
0x76: {  	_ =	shalt  }
0x77: {  	_ =	shalt  }
0x78: {  	_ =	shalt  }
0x79: {  	_ =	shalt  }
0x7a: {  	_ =	shalt  }
0x7b: {  	_ =	shalt  }
0x7c: {  	_ =	shalt  }
0x7d: {  	_ =	shalt  }
0x7e: {  	_ =	shalt  }
0x7f: {  	_ =	shalt  }
0x80: {  	_ =	shalt  }
0x81: {  	_ =	shalt  }
0x82: {  	_ =	shalt  }
0x83: {  	_ =	shalt  }
0x84: {  	_ =	shalt  }
0x85: {  	_ =	shalt  }
0x86: {  	_ =	shalt  }
0x87: {  	_ =	shalt  }
.Lfunc_end0:
.L_simem_size_0:
called_computation_lowered:
.L_overlay_start_0:
0x88: {  	s2 =	sld [smem:$0x3FD9]  }
0x89: {  	s3 =	sld [smem:$0x3FFE];
	_ =	sdelay $0x1  }
0x8a: {  	s1 =	srdreg.scid  }
0x8b: {  	s0 =	sand.u32 $0x1, s1  }
0x8c: {  	s17 =	sshll.u32 s0, $0xA;
	s2 =	sadd.s32 s3, s2  }
0x8d: {  	s2 =	sadd.s32 s2, s17  }
0x8e: {  	[smem:$0x3FBC] =	sst s2  }
0x8f: {  	_ = 	snop  }
0x90: {  	s2 =	sld [smem:$0x3FC9];
	(tm) =	ssettm $0x1  }
0x91: {  	s18 =	sld [smem:$0x3FFB];
	_ =	sdelay $0x3  }
0x92: {  	_ =	strace s18  }
0x93: {  	s3 =	sld [smem:$0x3FFC];
	_ =	sdelay $0x3  }
0x94: {  	_ =	strace s3  }
0x95: {  	s3 =	sld [smem:$0x3FFD];
	_ =	sdelay $0x3  }
0x96: {  	_ =	strace s3  }
0x97: {  	_ =	strace $0x8FFFFFFF  }
0x98: {  	s19 =	sld [smem:$0x3FDB];
	_ =	sdelay $0x1  }
0x99: {  	s4 =	simm.s32 $_scs_section_size  }
0x9a: {  	s5 =	simm.s32 $_size__tile_overlayer_lowered;
	s6 =	simm.s32 $_tile_overlayer_lowered  }
0x9b: {  	s22 =	simm.s32 $0x1BFF;
	s21 =	sshll.u32 s6, $0x1;
	s3 =	sadd.s32 s4, s19  }
0x9c: {  	s7 =	simm.s32 $0x0;
	s20 =	sshll.u32 s5, $0x1;
	s5 =	sadd.s32 s21, s3  }
0x9d: {  	[timem:s7], [sflag:s22] =	dma.local [hbm:s5], s20  }
0x9e: {  	_ =	swait.ge [sflag:s22], s20  }
0x9f: {  	s4 =	ssub.s32 $0x0, s20;
	[sflag:s22] =	ssyncset.done $0x0  }
0xa0: {  	[sflag:s22] =	ssyncadd.s32 s4;
	_ =	sdelay $0x1  }
0xa1: {  	s23 =	simm.s32 $0x1B8B  }
0xa2: {  	_ =	swait.ge [sflag:s23], $0x1  }
0xa3: {  	[sflag:s23] =	ssyncset.done $0x0  }
0xa4: {  	s25 =	simm.s32 $0x1B8E;
	s24 =	sld [smem:$0x3FFE];
	[sflag:s23] =	ssyncadd.s32 $0xFFFFFFFF  }
0xa5: {  	s26 =	simm.s32 $execute0_lowered;
	[smem:$0x3FD2] =	sst s25  }
0xa6: {  	s5 =	sshll.u32 s26, $0x1;
	_ =	strace $0x80000046;
	[dreg:$0x1] =	wrdreg $0xFFFFFFFF  }
0xa7: {  	s28 =	simm.s32 $_size_execute0_lowered;
	s3 =	sadd.s32 s3, s5;
	[dreg:$0x0] =	wrdreg $0x0  }
0xa8: {  	s5 =	sshll.u32 s28, $0x1;
	[dreg:$0x2] =	wrdreg s3  }
0xa9: {  	[dreg:$0x3] =	wrdreg s5  }
0xaa: {  	[dreg:$0x4] =	wrdreg $0xC0  }
0xab: {  	_ =	task [dreg:s7], $0x5FFFF  }
0xac: {  	[dreg:$0x1] =	wrdreg $0xFFFFFFFF  }
0xad: {  	[dreg:$0x0] =	wrdreg $0x60  }
0xae: {  	[dreg:$0x2] =	wrdreg s2  }
0xaf: {  	[dreg:$0x3] =	wrdreg s24  }
0xb0: {  	[dreg:$0x4] =	wrdreg $0x0  }
0xb1: {  	[dreg:$0x5] =	wrdreg $0x9  }
0xb2: {  	_ =	task.clear_ibuf [dreg:s7], $0x6FFFF;
	_ =	strace $0x90000046  }
0xb3: {  	s29 =	simm.s32 $0x9;
	_ =	strace $0x80000048  }
0xb4: {  	_ =	swait.ge [sflag:s29], $0x1  }
0xb5: {  	[sflag:s29] =	ssyncadd.s32 $0xFFFFFFFF  }
0xb6: {  	_ =	strace $0x90000048  }
0xb7: {  	_ =	sfence  }
0xb8: {  	s30 =	sld [smem:$0x0];
	_ =	sdelay $0x2  }
0xb9: {  	s31 =	sshll.u32 s1, $0xD;
	s1 =	sshrl.u32 s1, $0x2  }
0xba: {  	s3 =	sand.u32 $0x4000, s31;
	s1 =	sadd.s32 s1, s30  }
0xbb: {  	s0 =	sor.u32 s3, s0;
	s1 =	sshll.u32 s1, $0x11  }
0xbc: {  	s0 =	sor.u32 s1, s0  }
0xbd: {  	s0 =	sadd.s32 $0x8F2B, s0  }
0xbe: {  	[sflag:s0] =	ssyncadd.remote.s32 $0x1  }
0xbf: {  	_ =	sfence.sel $0xFFFF  }
0xc0: {  	[dreg:$0x0] =	wrdreg $0xFFFFFFFF;
	(pc) =	sbr.abs _section_cstart, $3  }
0xc1: {  	[dreg:$0x1] =	wrdreg $0xFFFFFFFF  }
0xc2: {  	_ =	task.clear_ibuf [dreg:s7], $0x2FFFF;
	_ =	strace $0x9FFFFFFF  }
0xc3: {  	(tm) =	ssettm $0x7FFFFFFF  }
tec
execute0_lowered:
.L_overlay_start_1:
0x0: {  	(tag) =	ssettag $0x1  }
0x1: {  	s1 =	rddreg [dreg:$0x0]  }
0x2: {  	s6 =	rddreg [dreg:$0x1]  }
0x3: {  	s2 =	rddreg [dreg:$0x2]  }
0x4: {  	s0 =	rddreg [dreg:$0x3];
	s3 =	simm.s32 $0x0;
	s5 =	srdreg.scid  }
0x5: {  	s4 =	stileid.u32;
	s17 =	simm.s32 $0x13C00;
	s18 =	simm.s32 $0x15000  }
0x6: {  	s19 =	simm.s32 $0x80;
	s20 =	simm.s32 $0x16400;
	s21 =	simm.s32 $0x13C80  }
0x7: {  	s22 =	simm.s32 $0x1A400;
	s23 =	simm.s32 $0x1;
	s24 =	simm.s32 $0x2  }
0x8: {  	s25 =	simm.s32 $0x16300;
	s26 =	simm.s32 $0x16380;
	s28 =	simm.s32 $0x0  }
0x9: {  	[smem:$0x7FF] =	sst s3;
	s10 =	sadd.s32 $0xC000, s6;
	s11 =	sadd.s32 $0x2000, s6  }
0xa: {  	s7 =	sand.u32 $0x1, s5;
	s5 =	sadd.s32 $0x16000, s6;
	s9 =	smul.u32 $0x4F000, s4  }
0xb: {  	s12 =	sadd.s32 $0x18800, s6;
	s31 =	sshll.u32 s4, $0x6;
	s16 =	smul.u32 $0x13C00, s4  }
0xc: {  	p0 =	seq.s32 s4, $0xF;
	_ =	strace $0x80000047;
	s8 =	sshll.u32 s7, $0x4  }
0xd: {  	s29 =	ssub.s32 $0x2, s7;
	s30 =	smul.u32 $0x138800, s7;
	s7 =	sor.u32 $0x1C03, s31  }
0xe: {  	s8 =	sor.u32 s4, s8;
	s13 =	sshrl.u32 s29, $0x1;
	s9 =	sshrl.u32 s9, $0x2  }
0xf: {  	s8 =	smul.u32 $0x2800, s8;
	s14 =	ssub.s32 s29, s13;
	s16 =	sadd.s32 s16, s30  }
0x10: {  	s6 =	sadd.s32 s9, s2;
	s13 =	sshrl.u32 s30, $0x3;
	s16 =	sshrl.u32 s16, $0x3  }
0x11: {  	s13 =	sadd.s32 s12, s13;
	s14 =	smax.u32 s14, $0x1;
	s15 =	sshrl.u32 s8, $0x3  }
0x12: {  	s12 =	sadd.s32 s12, s16;
	s13 =	sadd.s32 $0x25080, s13;
	s16 =	simm.s32 $0x3  }
0x13: {  	s8 =	sadd.s32 s10, s15;
	s9 =	sadd.s32 s11, s15;
	s15 =	sadd.s32 $0x280, s15  }
0x14: {  	s10 =	sadd.s32 s10, s15;
	s11 =	sadd.s32 s11, s15;
	s15 =	sshrl.u32 s6, $0x3  }
.LBB2_1:
0x15: {  	[spmem:s15], [sflag:s7] =	dma.local [hbm:s5], $0x2780  }
0x16: {  	_ =	swait.ge [sflag:s16], $0x2780  }
0x17: {  	[sflag:s16] =	ssyncset.done $0x0  }
0x18: {  	[sflag:s16] =	ssyncadd.s32 $0xFFFFD880  }
0x19: {  	[bflag:$0x0] =	sbarrier.arrive $0xFFFF  }
0x1a: {  	[tilespmem:s17], [sflag:$0x3] =	stream.linear.gather [hbm4b:s8+s3], $0x1400, $0x38;
	[tilespmem:$0x1E400] =	vst v63  }
0x1b: {  	_ =	swait.ge [sflag:s16], $0x1400  }
0x1c: {  	[sflag:s16] =	ssyncset.done $0x0  }
0x1d: {  	[sflag:s16] =	ssyncadd.s32 $0xFFFFEC00  }
0x1e: {  	[tilespmem:s18], [sflag:$0x3] =	stream.linear.gather [hbm4b:s9+s3], $0x1400, $0x38;
	[tilespmem:$0x1E400] =	vst v63  }
0x1f: {  	_ =	swait.ge [sflag:s16], $0x1400  }
0x20: {  	[sflag:s16] =	ssyncset.done $0x0  }
0x21: {  	[sflag:s16] =	ssyncadd.s32 $0xFFFFEC00  }
0x22: {  	[tilespmem:s20], [sflag:$0x1] =	stream.indirect.gather [hbm4b:s1+s19], $0x80, s17, s19, $0xb8;
	[tilespmem:$0x1E400] =	vst v63  }
0x23: {  	_ = 	snop  }
0x24: {  	[tilespmem:s22], [sflag:$0x2] =	stream.indirect.gather [hbm4b:s1+s19], $0x80, s21, s19, $0xb8;
	[tilespmem:$0x1E400] =	vst v63  }
0x25: {  	_ =	swait.ge [sflag:s23], $0x4000  }
0x26: {  	[sflag:s23] =	ssyncset.done $0x0  }
0x27: {  	s29 =	simm.s32 $0x15000;
	[sflag:s23] =	ssyncadd.s32 $0xFFFFC000  }
0x28: {  	[spmem:s2] =	stream.indirect.scatter.add.f32 [tilespmem:s20], [sflag:$0x3], $0x80, s29, s19, $0xb8;
	[tilespmem:$0x1E400] =	vst v63  }
0x29: {  	_ =	swait.ge [sflag:s16], $0x4000  }
0x2a: {  	[sflag:s16] =	ssyncset.done $0x0  }
0x2b: {  	s29 =	simm.s32 $0x13D00;
	[sflag:s16] =	ssyncadd.s32 $0xFFFFC000  }
0x2c: {  	[tilespmem:s20], [sflag:$0x1] =	stream.indirect.gather [hbm4b:s1+s19], $0x80, s29, s19, $0xb8;
	[tilespmem:$0x1E400] =	vst v63  }
0x2d: {  	_ =	swait.ge [sflag:s24], $0x4000  }
0x2e: {  	[sflag:s24] =	ssyncset.done $0x0  }
0x2f: {  	s29 =	simm.s32 $0x15080;
	[sflag:s24] =	ssyncadd.s32 $0xFFFFC000  }
0x30: {  	[spmem:s2] =	stream.indirect.scatter.add.f32 [tilespmem:s22], [sflag:$0x3], $0x80, s29, s19, $0xb8;
	[tilespmem:$0x1E400] =	vst v63  }
0x31: {  	_ =	swait.ge [sflag:s16], $0x4000  }
0x32: {  	[sflag:s16] =	ssyncset.done $0x0  }
0x33: {  	s30 =	simm.s32 $0x13D80;
	s29 =	simm.s32 $0x400;
	[sflag:s16] =	ssyncadd.s32 $0xFFFFC000  }
.LBB2_2:
0x34: {  	[tilespmem:s22], [sflag:$0x2] =	stream.indirect.gather [hbm4b:s1+s19], $0x80, s30, s19, $0xb8;
	[tilespmem:$0x1E400] =	vst v63  }
0x35: {  	s30 =	smov.u32 s29  }
0x36: {  	p1 =	sne.s32 s29, $0x4800;
	s29 =	sadd.s32 $0x400, s29;
	_ =	swait.ge [sflag:s23], $0x4000  }
0x37: {  	s30 =	sshra.s32 s30, $0x2;
	[sflag:s23] =	ssyncset.done $0x0  }
0x38: {  	s31 =	sadd.s32 $0x15000, s30;
	[sflag:s23] =	ssyncadd.s32 $0xFFFFC000  }
0x39: {  	[spmem:s2] =	stream.indirect.scatter.add.f32 [tilespmem:s20], [sflag:$0x3], $0x80, s31, s19, $0xb8;
	[tilespmem:$0x1E400] =	vst v63  }
0x3a: {  	_ =	swait.ge [sflag:s16], $0x4000  }
0x3b: {  	[sflag:s16] =	ssyncset.done $0x0  }
0x3c: {  	s31 =	sadd.s32 $0x13D00, s30;
	[sflag:s16] =	ssyncadd.s32 $0xFFFFC000  }
0x3d: {  	[tilespmem:s20], [sflag:$0x1] =	stream.indirect.gather [hbm4b:s1+s19], $0x80, s31, s19, $0xb8;
	[tilespmem:$0x1E400] =	vst v63  }
0x3e: {  	_ =	swait.ge [sflag:s24], $0x4000  }
0x3f: {  	[sflag:s24] =	ssyncset.done $0x0  }
.Ltmp0:
0x40: {  	s31 =	sadd.s32 $0x15080, s30;
	[sflag:s24] =	ssyncadd.s32 $0xFFFFC000;
	(pc) =	sbr.rel @p1 .LBB2_2-.Ltmp0, $4  }
0x41: {  	[spmem:s2] =	stream.indirect.scatter.add.f32 [tilespmem:s22], [sflag:$0x3], $0x80, s31, s19, $0xb8;
	[tilespmem:$0x1E400] =	vst v63  }
0x42: {  	_ =	swait.ge [sflag:s16], $0x4000  }
0x43: {  	[sflag:s16] =	ssyncset.done $0x0  }
0x44: {  	s30 =	sadd.s32 $0x13D80, s30;
	[sflag:s16] =	ssyncadd.s32 $0xFFFFC000  }
0x45: {  	[tilespmem:s22], [sflag:$0x2] =	stream.indirect.gather [hbm4b:s1+s19], $0x80, s30, s19, $0xb8;
	[tilespmem:$0x1E400] =	vst v63  }
0x46: {  	_ =	swait.ge [sflag:s23], $0x4000  }
0x47: {  	[sflag:s23] =	ssyncset.done $0x0  }
0x48: {  	[sflag:s23] =	ssyncadd.s32 $0xFFFFC000  }
0x49: {  	[spmem:s2] =	stream.indirect.scatter.add.f32 [tilespmem:s20], [sflag:$0x3], $0x80, s25, s19, $0xb8;
	[tilespmem:$0x1E400] =	vst v63  }
0x4a: {  	_ =	swait.ge [sflag:s16], $0x4000  }
0x4b: {  	[sflag:s16] =	ssyncset.done $0x0  }
0x4c: {  	[sflag:s16] =	ssyncadd.s32 $0xFFFFC000  }
0x4d: {  	_ =	swait.ge [sflag:s24], $0x4000  }
0x4e: {  	[sflag:s24] =	ssyncset.done $0x0  }
0x4f: {  	[sflag:s24] =	ssyncadd.s32 $0xFFFFC000  }
0x50: {  	[spmem:s2] =	stream.indirect.scatter.add.f32 [tilespmem:s22], [sflag:$0x3], $0x80, s26, s19, $0xb8;
	[tilespmem:$0x1E400] =	vst v63  }
0x51: {  	_ =	swait.ge [sflag:s16], $0x4000  }
0x52: {  	[sflag:s16] =	ssyncset.done $0x0  }
0x53: {  	s29 =	simm.s32 $0x0;
	[sflag:s16] =	ssyncadd.s32 $0xFFFFC000  }
0x54: {  	[tilespmem:s17], [sflag:$0x3] =	stream.linear.gather [hbm4b:s10+s29], $0x1400, $0x38;
	[tilespmem:$0x1E400] =	vst v63  }
0x55: {  	_ =	swait.ge [sflag:s16], $0x1400  }
0x56: {  	[sflag:s16] =	ssyncset.done $0x0  }
0x57: {  	[sflag:s16] =	ssyncadd.s32 $0xFFFFEC00  }
0x58: {  	[tilespmem:s18], [sflag:$0x3] =	stream.linear.gather [hbm4b:s11+s29], $0x1400, $0x38;
	[tilespmem:$0x1E400] =	vst v63  }
0x59: {  	_ =	swait.ge [sflag:s16], $0x1400  }
0x5a: {  	[sflag:s16] =	ssyncset.done $0x0  }
0x5b: {  	[sflag:s16] =	ssyncadd.s32 $0xFFFFEC00  }
0x5c: {  	[tilespmem:s20], [sflag:$0x1] =	stream.indirect.gather [hbm4b:s1+s19], $0x80, s17, s19, $0xb8;
	[tilespmem:$0x1E400] =	vst v63  }
0x5d: {  	_ = 	snop  }
0x5e: {  	[tilespmem:s22], [sflag:$0x2] =	stream.indirect.gather [hbm4b:s1+s19], $0x80, s21, s19, $0xb8;
	[tilespmem:$0x1E400] =	vst v63  }
0x5f: {  	_ =	swait.ge [sflag:s23], $0x4000  }
0x60: {  	[sflag:s23] =	ssyncset.done $0x0  }
0x61: {  	s29 =	simm.s32 $0x15000;
	[sflag:s23] =	ssyncadd.s32 $0xFFFFC000  }
0x62: {  	[spmem:s2] =	stream.indirect.scatter.add.f32 [tilespmem:s20], [sflag:$0x3], $0x80, s29, s19, $0xb8;
	[tilespmem:$0x1E400] =	vst v63  }
0x63: {  	_ =	swait.ge [sflag:s16], $0x4000  }
0x64: {  	[sflag:s16] =	ssyncset.done $0x0  }
0x65: {  	s29 =	simm.s32 $0x13D00;
	[sflag:s16] =	ssyncadd.s32 $0xFFFFC000  }
0x66: {  	[tilespmem:s20], [sflag:$0x1] =	stream.indirect.gather [hbm4b:s1+s19], $0x80, s29, s19, $0xb8;
	[tilespmem:$0x1E400] =	vst v63  }
0x67: {  	_ =	swait.ge [sflag:s24], $0x4000  }
0x68: {  	[sflag:s24] =	ssyncset.done $0x0  }
0x69: {  	s29 =	simm.s32 $0x15080;
	[sflag:s24] =	ssyncadd.s32 $0xFFFFC000  }
0x6a: {  	[spmem:s2] =	stream.indirect.scatter.add.f32 [tilespmem:s22], [sflag:$0x3], $0x80, s29, s19, $0xb8;
	[tilespmem:$0x1E400] =	vst v63  }
0x6b: {  	_ =	swait.ge [sflag:s16], $0x4000  }
0x6c: {  	[sflag:s16] =	ssyncset.done $0x0  }
0x6d: {  	s30 =	simm.s32 $0x13D80;
	s29 =	simm.s32 $0x400;
	[sflag:s16] =	ssyncadd.s32 $0xFFFFC000  }
.LBB2_4:
0x6e: {  	[tilespmem:s22], [sflag:$0x2] =	stream.indirect.gather [hbm4b:s1+s19], $0x80, s30, s19, $0xb8;
	[tilespmem:$0x1E400] =	vst v63  }
0x6f: {  	s30 =	smov.u32 s29  }
0x70: {  	p1 =	sne.s32 s29, $0x4800;
	s29 =	sadd.s32 $0x400, s29;
	_ =	swait.ge [sflag:s23], $0x4000  }
0x71: {  	s30 =	sshra.s32 s30, $0x2;
	[sflag:s23] =	ssyncset.done $0x0  }
0x72: {  	s31 =	sadd.s32 $0x15000, s30;
	[sflag:s23] =	ssyncadd.s32 $0xFFFFC000  }
0x73: {  	[spmem:s2] =	stream.indirect.scatter.add.f32 [tilespmem:s20], [sflag:$0x3], $0x80, s31, s19, $0xb8;
	[tilespmem:$0x1E400] =	vst v63  }
0x74: {  	_ =	swait.ge [sflag:s16], $0x4000  }
0x75: {  	[sflag:s16] =	ssyncset.done $0x0  }
0x76: {  	s31 =	sadd.s32 $0x13D00, s30;
	[sflag:s16] =	ssyncadd.s32 $0xFFFFC000  }
0x77: {  	[tilespmem:s20], [sflag:$0x1] =	stream.indirect.gather [hbm4b:s1+s19], $0x80, s31, s19, $0xb8;
	[tilespmem:$0x1E400] =	vst v63  }
0x78: {  	_ =	swait.ge [sflag:s24], $0x4000  }
0x79: {  	[sflag:s24] =	ssyncset.done $0x0  }
.Ltmp1:
0x7a: {  	s31 =	sadd.s32 $0x15080, s30;
	[sflag:s24] =	ssyncadd.s32 $0xFFFFC000;
	(pc) =	sbr.rel @p1 .LBB2_4-.Ltmp1, $4  }
0x7b: {  	[spmem:s2] =	stream.indirect.scatter.add.f32 [tilespmem:s22], [sflag:$0x3], $0x80, s31, s19, $0xb8;
	[tilespmem:$0x1E400] =	vst v63  }
0x7c: {  	_ =	swait.ge [sflag:s16], $0x4000  }
0x7d: {  	[sflag:s16] =	ssyncset.done $0x0  }
0x7e: {  	s30 =	sadd.s32 $0x13D80, s30;
	[sflag:s16] =	ssyncadd.s32 $0xFFFFC000  }
0x7f: {  	[tilespmem:s22], [sflag:$0x2] =	stream.indirect.gather [hbm4b:s1+s19], $0x80, s30, s19, $0xb8;
	[tilespmem:$0x1E400] =	vst v63  }
0x80: {  	_ =	swait.ge [sflag:s23], $0x4000  }
0x81: {  	[sflag:s23] =	ssyncset.done $0x0  }
0x82: {  	[sflag:s23] =	ssyncadd.s32 $0xFFFFC000  }
0x83: {  	[spmem:s2] =	stream.indirect.scatter.add.f32 [tilespmem:s20], [sflag:$0x3], $0x80, s25, s19, $0xb8;
	[tilespmem:$0x1E400] =	vst v63  }
0x84: {  	_ =	swait.ge [sflag:s16], $0x4000  }
0x85: {  	[sflag:s16] =	ssyncset.done $0x0  }
0x86: {  	[sflag:s16] =	ssyncadd.s32 $0xFFFFC000  }
0x87: {  	_ =	swait.ge [sflag:s24], $0x4000  }
0x88: {  	[sflag:s24] =	ssyncset.done $0x0  }
0x89: {  	[sflag:s24] =	ssyncadd.s32 $0xFFFFC000  }
0x8a: {  	[spmem:s2] =	stream.indirect.scatter.add.f32 [tilespmem:s22], [sflag:$0x3], $0x80, s26, s19, $0xb8;
	[tilespmem:$0x1E400] =	vst v63  }
0x8b: {  	_ =	swait.ge [sflag:s16], $0x4000  }
0x8c: {  	[sflag:s16] =	ssyncset.done $0x0  }
0x8d: {  	[sflag:s16] =	ssyncadd.s32 $0xFFFFC000  }
0x8e: {  	s29 =	sshrl.u32 @p0 s6, $0x3;
	[bflag:$0x0] =	sbarrier.arrive $0xFFFF  }
0x8f: {  	[hbm:s13], [sflag:s7] =	dma.local @p0 [spmem:s29], $0x2080  }
0x90: {  	s29 =	simm.s32 @p0 $0x3  }
0x91: {  	_ =	swait.ge @p0 [sflag:s29], $0x2080  }
0x92: {  	s28 =	sadd.s32 $0x1, s28;
	[sflag:s29] =	ssyncset.done @p0 $0x0  }
0x93: {  	p1 =	sne.s32 s28, s14;
	[sflag:s29] =	ssyncadd.s32 @p0 $0xFFFFDF80;
	s29 =	sshrl.u32 @!p0 s6, $0x3  }
0x94: {  	[hbm:s12], [sflag:s7] =	dma.local @!p0 [spmem:s29], $0x2780  }
.Ltmp2:
0x95: {  	_ = 	snop;
	(pc) =	sbr.rel @p1 .LBB2_1-.Ltmp2, $4  }
0x96: {  	s29 =	simm.s32 @!p0 $0x3  }
0x97: {  	_ =	swait.ge @!p0 [sflag:s29], $0x2780  }
0x98: {  	[sflag:s29] =	ssyncset.done @!p0 $0x0  }
0x99: {  	[sflag:s29] =	ssyncadd.s32 @!p0 $0xFFFFD880  }
0x9a: {  	_ =	sfence.sel $0x180000  }
0x9b: {  	[bflag:$0x0] =	sbarrier.arrive $0xFFFF  }
0x9c: {  	p0 =	sne.s32 s4, $0x0;
	_ =	strace $0x90000047  }
0x9d: {  	s0 =	sadd.s32 @!p0 $0x100000, s0;
	[bflag:$0x2] =	sbarrier.arrive $0xFFFF  }
0x9e: {  	[sflag:s0] =	ssyncadd.tile.s32 @!p0 $0x1;
	_ =	shalt  }
.Lfunc_end2:
_tile_overlayer_lowered:
.L_overlay_start_2:
0x9f: {  	(tag) =	ssettag $0x2  }
0xa0: {  	s0 =	rddreg [dreg:$0x0];
	s2 =	stileid.u32  }
0xa1: {  	s1 =	rddreg [dreg:$0x1];
	p0 =	sne.s32 s2, $0x0  }
0xa2: {  	s3 =	rddreg [dreg:$0x2];
	[bflag:$0x3] =	sbarrier.arrive $0xFFFF;
	s2 =	simm.s32 @!p0 $0x1C03  }
0xa3: {  	[timem:s3], [sflag:s2] =	dma.local @!p0 [hbm:s0], s1  }
0xa4: {  	s0 =	simm.s32 @!p0 $0x3  }
0xa5: {  	_ =	swait.ge @!p0 [sflag:s0], s1  }
0xa6: {  	s1 =	ssub.s32 @!p0 $0x0, s1;
	[sflag:s0] =	ssyncset.done @!p0 $0x0  }
0xa7: {  	[sflag:s0] =	ssyncadd.s32 @!p0 s1  }
0xa8: {  	[bflag:$0x3] =	sbarrier.arrive $0xFFFF  }
0xa9: {  	_ =	shalt  }

// kernel: kernel.9.cloned.1.call-start
scs
__scs_entry_jumppad:
0x0: {  	(pc) =	sbr.rel $0x88, $3  }
0x1: {  	(tag) =	ssettag $0x0;
	lr =	simm.s32 $0x1  }
0x2: {  	[smem:$0x3F95] =	sst lr;
	_ =	strace $0xD0000000  }
0x3: {  	_ = 	snop  }
0x4: {  	_ = 	snop  }
0x5: {  	_ = 	snop  }
0x6: {  	_ = 	snop  }
0x7: {  	_ = 	snop  }
__scs_overlays_trampoline_lowered:
0x8: {  	[smem:$0x3FA4] =	sst s0  }
0x9: {  	[smem:$0x3FA5] =	sst s1  }
0xa: {  	[smem:$0x3FA6] =	sst s2  }
0xb: {  	[smem:$0x3FA7] =	sst s3  }
0xc: {  	[smem:$0x3FA8] =	sst s4  }
0xd: {  	[smem:$0x3FA9] =	sst s5  }
0xe: {  	[smem:$0x3FAA] =	sst s6  }
0xf: {  	[smem:$0x3FAB] =	sst s7  }
0x10: {  	[smem:$0x3FAC] =	sst s8  }
0x11: {  	[smem:$0x3FAD] =	sst s9;
	s0 =	simm.s32 @!p0 $0x0  }
0x12: {  	s1 =	sld [smem:$0x3F93];
	s0 =	simm.s32 @p0 $0x1  }
0x13: {  	[smem:$0x3FAE] =	sst s0;
	s0 =	simm.s32 @!p1 $0x0  }
0x14: {  	s2 =	sld [smem:$0x3F92];
	s0 =	simm.s32 @p1 $0x1  }
0x15: {  	[smem:$0x3FAF] =	sst s0;
	s0 =	simm.s32 @!p2 $0x0  }
0x16: {  	s3 =	sld [smem:$0x3FDB];
	s0 =	simm.s32 @p2 $0x1  }
0x17: {  	s4 =	simm.s32 $0x1BF5;
	[smem:$0x3FB1] =	sst s0  }
0x18: {  	s0 =	sld [smem:$0x3F94];
	_ =	swait.ge [sflag:s4], $0x0  }
0x19: {  	s7 =	sld [smem:$0x3F95]  }
0x1a: {  	s8 =	sadd.s32 $0xFFFFE003, lr  }
0x1b: {  	s9 =	sadd.s32 $0xFFFFFEF7, lr;
	s5 =	simm.s32 $0xFFFFFFFF;
	p2 =	slt.u32 s8, $0xFFFFF086  }
0x1c: {  	p1 =	slt.u32 s9, $0xF7A;
	s5 =	simm.s32 @!p2 $0x0  }
0x1d: {  	s5 =	simm.s32 @p1 $0x1;
	p0 =	seq.s32 s7, s2  }
0x1e: {  	s7 =	smul.u32 @!p0 $0xF7A, s2;
	p2 =	seq.s32 @!p0 s5, $0x0  }
0x1f: {  	s9 =	smul.u32 $0xF7A, s1;
	s8 =	simm.s32 @!p0 $0x1BF5;
	p2 =	por !p2, p0  }
0x20: {  	[sflag:s8] =	ssyncset.s32 @!p0 $0xFFFFF086;
	s6 =	sadd.s32 @!p0 s3, s7;
	s7 =	simm.s32 @!p0 $0x108  }
0x21: {  	s3 =	sadd.s32 s3, s9;
	s6 =	sadd.s32 @!p0 $0x88, s6;
	s7 =	simm.s32 @p2 $0x1082  }
0x22: {  	[simem:s7], [sflag:s8] =	dma.local @!p0 [hbm:s6], $0xF7A  }
0x23: {  	s9 =	sor.u32 $0xD0000000, s2;
	s6 =	simm.s32 $0x108;
	_ =	swait.ge @!p0 [sflag:s8], $0x0  }
0x24: {  	s3 =	sadd.s32 $0x88, s3;
	s6 =	simm.s32 @!p1 $0x1082;
	[sflag:s4] =	ssyncset.s32 $0xFFFFF086  }
0x25: {  	[simem:s6], [sflag:s4] =	dma.local [hbm:s3], $0xF7A  }
0x26: {  	[smem:$0x3F95] =	sst s1;
	(tag) =	ssettag s2;
	_ =	strace s9  }
0x27: {  	s1 =	sld [smem:$0x3FA5]  }
0x28: {  	s2 =	sld [smem:$0x3FA6]  }
0x29: {  	s4 =	sld [smem:$0x3FA8]  }
0x2a: {  	p0 =	seq.s32 s5, $0x0;
	s5 =	sld [smem:$0x3FA9]  }
0x2b: {  	s6 =	sld [smem:$0x3FAA]  }
0x2c: {  	s7 =	sld [smem:$0x3FAB]  }
0x2d: {  	s3 =	simm.s32 $0x108;
	s8 =	sld [smem:$0x3FAC]  }
0x2e: {  	s3 =	simm.s32 @!p0 $0x1082;
	s9 =	sld [smem:$0x3FAD]  }
0x2f: {  	lr =	sadd.s32 s0, s3;
	s0 =	sld [smem:$0x3FA4]  }
0x30: {  	s3 =	sld [smem:$0x3FA7]  }
0x31: {  	[smem:$0x3FB0] =	sst s10  }
0x32: {  	s10 =	sld [smem:$0x3FAE];
	_ =	sdelay $0x3  }
0x33: {  	p0 =	seq.s32 s10, $0x1;
	s10 =	sld [smem:$0x3FB0];
	_ =	sdelay $0x3  }
0x34: {  	[smem:$0x3FB0] =	sst s10  }
0x35: {  	s10 =	sld [smem:$0x3FAF];
	_ =	sdelay $0x3  }
0x36: {  	p1 =	seq.s32 s10, $0x1;
	s10 =	sld [smem:$0x3FB0];
	_ =	sdelay $0x3  }
0x37: {  	[smem:$0x3FB0] =	sst s10  }
0x38: {  	s10 =	sld [smem:$0x3FB1]  }
0x39: {  	_ = 	snop;
	(pc) =	sbr.ind lr, $3  }
0x3a: {  	_ = 	snop  }
0x3b: {  	_ = 	snop  }
0x3c: {  	p2 =	seq.s32 s10, $0x1;
	s10 =	sld [smem:$0x3FB0]  }
0x3d: {  	_ =	shalt  }
0x3e: {  	_ =	shalt  }
0x3f: {  	_ =	shalt  }
0x40: {  	_ =	shalt  }
0x41: {  	_ =	shalt  }
0x42: {  	_ =	shalt  }
0x43: {  	_ =	shalt  }
0x44: {  	_ =	shalt  }
0x45: {  	_ =	shalt  }
0x46: {  	_ =	shalt  }
0x47: {  	_ =	shalt  }
0x48: {  	_ =	shalt  }
0x49: {  	_ =	shalt  }
0x4a: {  	_ =	shalt  }
0x4b: {  	_ =	shalt  }
0x4c: {  	_ =	shalt  }
0x4d: {  	_ =	shalt  }
0x4e: {  	_ =	shalt  }
0x4f: {  	_ =	shalt  }
0x50: {  	_ =	shalt  }
0x51: {  	_ =	shalt  }
0x52: {  	_ =	shalt  }
0x53: {  	_ =	shalt  }
0x54: {  	_ =	shalt  }
0x55: {  	_ =	shalt  }
0x56: {  	_ =	shalt  }
0x57: {  	_ =	shalt  }
0x58: {  	_ =	shalt  }
0x59: {  	_ =	shalt  }
0x5a: {  	_ =	shalt  }
0x5b: {  	_ =	shalt  }
0x5c: {  	_ =	shalt  }
0x5d: {  	_ =	shalt  }
0x5e: {  	_ =	shalt  }
0x5f: {  	_ =	shalt  }
0x60: {  	_ =	shalt  }
0x61: {  	_ =	shalt  }
0x62: {  	_ =	shalt  }
0x63: {  	_ =	shalt  }
0x64: {  	_ =	shalt  }
0x65: {  	_ =	shalt  }
0x66: {  	_ =	shalt  }
0x67: {  	_ =	shalt  }
0x68: {  	_ =	shalt  }
0x69: {  	_ =	shalt  }
0x6a: {  	_ =	shalt  }
0x6b: {  	_ =	shalt  }
0x6c: {  	_ =	shalt  }
0x6d: {  	_ =	shalt  }
0x6e: {  	_ =	shalt  }
0x6f: {  	_ =	shalt  }
0x70: {  	_ =	shalt  }
0x71: {  	_ =	shalt  }
0x72: {  	_ =	shalt  }
0x73: {  	_ =	shalt  }
0x74: {  	_ =	shalt  }
0x75: {  	_ =	shalt  }
0x76: {  	_ =	shalt  }
0x77: {  	_ =	shalt  }
0x78: {  	_ =	shalt  }
0x79: {  	_ =	shalt  }
0x7a: {  	_ =	shalt  }
0x7b: {  	_ =	shalt  }
0x7c: {  	_ =	shalt  }
0x7d: {  	_ =	shalt  }
0x7e: {  	_ =	shalt  }
0x7f: {  	_ =	shalt  }
0x80: {  	_ =	shalt  }
0x81: {  	_ =	shalt  }
0x82: {  	_ =	shalt  }
0x83: {  	_ =	shalt  }
0x84: {  	_ =	shalt  }
0x85: {  	_ =	shalt  }
0x86: {  	_ =	shalt  }
0x87: {  	_ =	shalt  }
.Lfunc_end0:
.L_simem_size_0:
called_computation.1_lowered:
.L_overlay_start_0:
0x88: {  	s2 =	sld [smem:$0x3FD9]  }
0x89: {  	s3 =	sld [smem:$0x3FFE];
	_ =	sdelay $0x1  }
0x8a: {  	s1 =	srdreg.scid  }
0x8b: {  	s0 =	sand.u32 $0x1, s1  }
0x8c: {  	s17 =	sshll.u32 s0, $0xA;
	s2 =	sadd.s32 s3, s2  }
0x8d: {  	s2 =	sadd.s32 s2, s17  }
0x8e: {  	[smem:$0x3FBC] =	sst s2  }
0x8f: {  	_ = 	snop  }
0x90: {  	s2 =	sld [smem:$0x3FD0];
	(tm) =	ssettm $0x1  }
0x91: {  	s18 =	sld [smem:$0x3FFB];
	_ =	sdelay $0x3  }
0x92: {  	_ =	strace s18  }
0x93: {  	s3 =	sld [smem:$0x3FFC];
	_ =	sdelay $0x3  }
0x94: {  	_ =	strace s3  }
0x95: {  	s3 =	sld [smem:$0x3FFD];
	_ =	sdelay $0x3  }
0x96: {  	_ =	strace s3  }
0x97: {  	_ =	strace $0x8FFFFFFF  }
0x98: {  	s19 =	sld [smem:$0x3FDB];
	_ =	sdelay $0x1  }
0x99: {  	s4 =	simm.s32 $_scs_section_size  }
0x9a: {  	s5 =	simm.s32 $_size__tile_overlayer_lowered;
	s6 =	simm.s32 $_tile_overlayer_lowered  }
0x9b: {  	s22 =	simm.s32 $0x1BFF;
	s21 =	sshll.u32 s6, $0x1;
	s3 =	sadd.s32 s4, s19  }
0x9c: {  	s7 =	simm.s32 $0x0;
	s20 =	sshll.u32 s5, $0x1;
	s5 =	sadd.s32 s21, s3  }
0x9d: {  	[timem:s7], [sflag:s22] =	dma.local [hbm:s5], s20  }
0x9e: {  	_ =	swait.ge [sflag:s22], s20  }
0x9f: {  	s4 =	ssub.s32 $0x0, s20;
	[sflag:s22] =	ssyncset.done $0x0  }
0xa0: {  	[sflag:s22] =	ssyncadd.s32 s4;
	_ =	sdelay $0x1  }
0xa1: {  	s23 =	simm.s32 $0x1B8B  }
0xa2: {  	_ =	swait.ge [sflag:s23], $0x1  }
0xa3: {  	[sflag:s23] =	ssyncset.done $0x0  }
0xa4: {  	s25 =	simm.s32 $0x1B8E;
	s24 =	sld [smem:$0x3FFE];
	[sflag:s23] =	ssyncadd.s32 $0xFFFFFFFF  }
0xa5: {  	s26 =	simm.s32 $execute0_lowered;
	[smem:$0x3FD2] =	sst s25  }
0xa6: {  	s5 =	sshll.u32 s26, $0x1;
	_ =	strace $0x80000049;
	[dreg:$0x1] =	wrdreg $0xFFFFFFFF  }
0xa7: {  	s28 =	simm.s32 $_size_execute0_lowered;
	s3 =	sadd.s32 s3, s5;
	[dreg:$0x0] =	wrdreg $0x0  }
0xa8: {  	s5 =	sshll.u32 s28, $0x1;
	[dreg:$0x2] =	wrdreg s3  }
0xa9: {  	[dreg:$0x3] =	wrdreg s5  }
0xaa: {  	[dreg:$0x4] =	wrdreg $0xC0  }
0xab: {  	_ =	task [dreg:s7], $0x5FFFF  }
0xac: {  	[dreg:$0x1] =	wrdreg $0xFFFFFFFF  }
0xad: {  	[dreg:$0x0] =	wrdreg $0x60  }
0xae: {  	[dreg:$0x2] =	wrdreg s2  }
0xaf: {  	[dreg:$0x3] =	wrdreg s24  }
0xb0: {  	[dreg:$0x4] =	wrdreg $0x0  }
0xb1: {  	[dreg:$0x5] =	wrdreg $0x9  }
0xb2: {  	_ =	task.clear_ibuf [dreg:s7], $0x6FFFF;
	_ =	strace $0x90000049  }
0xb3: {  	s29 =	simm.s32 $0x9;
	_ =	strace $0x8000004B  }
0xb4: {  	_ =	swait.ge [sflag:s29], $0x1  }
0xb5: {  	[sflag:s29] =	ssyncadd.s32 $0xFFFFFFFF  }
0xb6: {  	_ =	strace $0x9000004B  }
0xb7: {  	_ =	sfence  }
0xb8: {  	s30 =	sld [smem:$0x0];
	_ =	sdelay $0x2  }
0xb9: {  	s31 =	sshll.u32 s1, $0xD;
	s1 =	sshrl.u32 s1, $0x2  }
0xba: {  	s3 =	sand.u32 $0x4000, s31;
	s1 =	sadd.s32 s1, s30  }
0xbb: {  	s0 =	sor.u32 s3, s0;
	s1 =	sshll.u32 s1, $0x11  }
0xbc: {  	s0 =	sor.u32 s1, s0  }
0xbd: {  	s0 =	sadd.s32 $0x8F2B, s0  }
0xbe: {  	[sflag:s0] =	ssyncadd.remote.s32 $0x1  }
0xbf: {  	_ =	sfence.sel $0xFFFF  }
0xc0: {  	[dreg:$0x0] =	wrdreg $0xFFFFFFFF;
	(pc) =	sbr.abs _section_cstart, $3  }
0xc1: {  	[dreg:$0x1] =	wrdreg $0xFFFFFFFF  }
0xc2: {  	_ =	task.clear_ibuf [dreg:s7], $0x2FFFF;
	_ =	strace $0x9FFFFFFF  }
0xc3: {  	(tm) =	ssettm $0x7FFFFFFF  }
tec
execute0_lowered:
.L_overlay_start_1:
0x0: {  	(tag) =	ssettag $0x1  }
0x1: {  	s1 =	rddreg [dreg:$0x0]  }
0x2: {  	s6 =	rddreg [dreg:$0x1]  }
0x3: {  	s2 =	rddreg [dreg:$0x2]  }
0x4: {  	s0 =	rddreg [dreg:$0x3];
	s3 =	simm.s32 $0x0;
	s5 =	srdreg.scid  }
0x5: {  	s4 =	stileid.u32;
	s17 =	simm.s32 $0x13C00;
	s18 =	simm.s32 $0x15000  }
0x6: {  	s19 =	simm.s32 $0x80;
	s20 =	simm.s32 $0x16400;
	s21 =	simm.s32 $0x13C80  }
0x7: {  	s22 =	simm.s32 $0x1A400;
	s23 =	simm.s32 $0x1;
	s24 =	simm.s32 $0x2  }
0x8: {  	s25 =	simm.s32 $0x16300;
	s26 =	simm.s32 $0x16380;
	s28 =	simm.s32 $0x0  }
0x9: {  	[smem:$0x7FF] =	sst s3;
	s10 =	sadd.s32 $0xC000, s6;
	s11 =	sadd.s32 $0x2000, s6  }
0xa: {  	s7 =	sand.u32 $0x1, s5;
	s5 =	sadd.s32 $0x16000, s6;
	s9 =	smul.u32 $0x4F000, s4  }
0xb: {  	s12 =	sadd.s32 $0x18800, s6;
	s31 =	sshll.u32 s4, $0x6;
	s16 =	smul.u32 $0x13C00, s4  }
0xc: {  	p0 =	seq.s32 s4, $0xF;
	_ =	strace $0x8000004A;
	s8 =	sshll.u32 s7, $0x4  }
0xd: {  	s29 =	ssub.s32 $0x2, s7;
	s30 =	smul.u32 $0x138800, s7;
	s7 =	sor.u32 $0x1C03, s31  }
0xe: {  	s8 =	sor.u32 s4, s8;
	s13 =	sshrl.u32 s29, $0x1;
	s9 =	sshrl.u32 s9, $0x2  }
0xf: {  	s8 =	smul.u32 $0x2800, s8;
	s14 =	ssub.s32 s29, s13;
	s16 =	sadd.s32 s16, s30  }
0x10: {  	s6 =	sadd.s32 s9, s2;
	s13 =	sshrl.u32 s30, $0x3;
	s16 =	sshrl.u32 s16, $0x3  }
0x11: {  	s13 =	sadd.s32 s12, s13;
	s14 =	smax.u32 s14, $0x1;
	s15 =	sshrl.u32 s8, $0x3  }
0x12: {  	s12 =	sadd.s32 s12, s16;
	s13 =	sadd.s32 $0x25080, s13;
	s16 =	simm.s32 $0x3  }
0x13: {  	s8 =	sadd.s32 s10, s15;
	s9 =	sadd.s32 s11, s15;
	s15 =	sadd.s32 $0x280, s15  }
0x14: {  	s10 =	sadd.s32 s10, s15;
	s11 =	sadd.s32 s11, s15;
	s15 =	sshrl.u32 s6, $0x3  }
.LBB2_1:
0x15: {  	[spmem:s15], [sflag:s7] =	dma.local [hbm:s5], $0x2780  }
0x16: {  	_ =	swait.ge [sflag:s16], $0x2780  }
0x17: {  	[sflag:s16] =	ssyncset.done $0x0  }
0x18: {  	[sflag:s16] =	ssyncadd.s32 $0xFFFFD880  }
0x19: {  	[bflag:$0x0] =	sbarrier.arrive $0xFFFF  }
0x1a: {  	[tilespmem:s17], [sflag:$0x3] =	stream.linear.gather [hbm4b:s8+s3], $0x1400, $0x38;
	[tilespmem:$0x1E400] =	vst v63  }
0x1b: {  	_ =	swait.ge [sflag:s16], $0x1400  }
0x1c: {  	[sflag:s16] =	ssyncset.done $0x0  }
0x1d: {  	[sflag:s16] =	ssyncadd.s32 $0xFFFFEC00  }
0x1e: {  	[tilespmem:s18], [sflag:$0x3] =	stream.linear.gather [hbm4b:s9+s3], $0x1400, $0x38;
	[tilespmem:$0x1E400] =	vst v63  }
0x1f: {  	_ =	swait.ge [sflag:s16], $0x1400  }
0x20: {  	[sflag:s16] =	ssyncset.done $0x0  }
0x21: {  	[sflag:s16] =	ssyncadd.s32 $0xFFFFEC00  }
0x22: {  	[tilespmem:s20], [sflag:$0x1] =	stream.indirect.gather [hbm4b:s1+s19], $0x80, s17, s19, $0xb8;
	[tilespmem:$0x1E400] =	vst v63  }
0x23: {  	_ = 	snop  }
0x24: {  	[tilespmem:s22], [sflag:$0x2] =	stream.indirect.gather [hbm4b:s1+s19], $0x80, s21, s19, $0xb8;
	[tilespmem:$0x1E400] =	vst v63  }
0x25: {  	_ =	swait.ge [sflag:s23], $0x4000  }
0x26: {  	[sflag:s23] =	ssyncset.done $0x0  }
0x27: {  	s29 =	simm.s32 $0x15000;
	[sflag:s23] =	ssyncadd.s32 $0xFFFFC000  }
0x28: {  	[spmem:s2] =	stream.indirect.scatter.add.f32 [tilespmem:s20], [sflag:$0x3], $0x80, s29, s19, $0xb8;
	[tilespmem:$0x1E400] =	vst v63  }
0x29: {  	_ =	swait.ge [sflag:s16], $0x4000  }
0x2a: {  	[sflag:s16] =	ssyncset.done $0x0  }
0x2b: {  	s29 =	simm.s32 $0x13D00;
	[sflag:s16] =	ssyncadd.s32 $0xFFFFC000  }
0x2c: {  	[tilespmem:s20], [sflag:$0x1] =	stream.indirect.gather [hbm4b:s1+s19], $0x80, s29, s19, $0xb8;
	[tilespmem:$0x1E400] =	vst v63  }
0x2d: {  	_ =	swait.ge [sflag:s24], $0x4000  }
0x2e: {  	[sflag:s24] =	ssyncset.done $0x0  }
0x2f: {  	s29 =	simm.s32 $0x15080;
	[sflag:s24] =	ssyncadd.s32 $0xFFFFC000  }
0x30: {  	[spmem:s2] =	stream.indirect.scatter.add.f32 [tilespmem:s22], [sflag:$0x3], $0x80, s29, s19, $0xb8;
	[tilespmem:$0x1E400] =	vst v63  }
0x31: {  	_ =	swait.ge [sflag:s16], $0x4000  }
0x32: {  	[sflag:s16] =	ssyncset.done $0x0  }
0x33: {  	s30 =	simm.s32 $0x13D80;
	s29 =	simm.s32 $0x400;
	[sflag:s16] =	ssyncadd.s32 $0xFFFFC000  }
.LBB2_2:
0x34: {  	[tilespmem:s22], [sflag:$0x2] =	stream.indirect.gather [hbm4b:s1+s19], $0x80, s30, s19, $0xb8;
	[tilespmem:$0x1E400] =	vst v63  }
0x35: {  	s30 =	smov.u32 s29  }
0x36: {  	p1 =	sne.s32 s29, $0x4800;
	s29 =	sadd.s32 $0x400, s29;
	_ =	swait.ge [sflag:s23], $0x4000  }
0x37: {  	s30 =	sshra.s32 s30, $0x2;
	[sflag:s23] =	ssyncset.done $0x0  }
0x38: {  	s31 =	sadd.s32 $0x15000, s30;
	[sflag:s23] =	ssyncadd.s32 $0xFFFFC000  }
0x39: {  	[spmem:s2] =	stream.indirect.scatter.add.f32 [tilespmem:s20], [sflag:$0x3], $0x80, s31, s19, $0xb8;
	[tilespmem:$0x1E400] =	vst v63  }
0x3a: {  	_ =	swait.ge [sflag:s16], $0x4000  }
0x3b: {  	[sflag:s16] =	ssyncset.done $0x0  }
0x3c: {  	s31 =	sadd.s32 $0x13D00, s30;
	[sflag:s16] =	ssyncadd.s32 $0xFFFFC000  }
0x3d: {  	[tilespmem:s20], [sflag:$0x1] =	stream.indirect.gather [hbm4b:s1+s19], $0x80, s31, s19, $0xb8;
	[tilespmem:$0x1E400] =	vst v63  }
0x3e: {  	_ =	swait.ge [sflag:s24], $0x4000  }
0x3f: {  	[sflag:s24] =	ssyncset.done $0x0  }
.Ltmp0:
0x40: {  	s31 =	sadd.s32 $0x15080, s30;
	[sflag:s24] =	ssyncadd.s32 $0xFFFFC000;
	(pc) =	sbr.rel @p1 .LBB2_2-.Ltmp0, $4  }
0x41: {  	[spmem:s2] =	stream.indirect.scatter.add.f32 [tilespmem:s22], [sflag:$0x3], $0x80, s31, s19, $0xb8;
	[tilespmem:$0x1E400] =	vst v63  }
0x42: {  	_ =	swait.ge [sflag:s16], $0x4000  }
0x43: {  	[sflag:s16] =	ssyncset.done $0x0  }
0x44: {  	s30 =	sadd.s32 $0x13D80, s30;
	[sflag:s16] =	ssyncadd.s32 $0xFFFFC000  }
0x45: {  	[tilespmem:s22], [sflag:$0x2] =	stream.indirect.gather [hbm4b:s1+s19], $0x80, s30, s19, $0xb8;
	[tilespmem:$0x1E400] =	vst v63  }
0x46: {  	_ =	swait.ge [sflag:s23], $0x4000  }
0x47: {  	[sflag:s23] =	ssyncset.done $0x0  }
0x48: {  	[sflag:s23] =	ssyncadd.s32 $0xFFFFC000  }
0x49: {  	[spmem:s2] =	stream.indirect.scatter.add.f32 [tilespmem:s20], [sflag:$0x3], $0x80, s25, s19, $0xb8;
	[tilespmem:$0x1E400] =	vst v63  }
0x4a: {  	_ =	swait.ge [sflag:s16], $0x4000  }
0x4b: {  	[sflag:s16] =	ssyncset.done $0x0  }
0x4c: {  	[sflag:s16] =	ssyncadd.s32 $0xFFFFC000  }
0x4d: {  	_ =	swait.ge [sflag:s24], $0x4000  }
0x4e: {  	[sflag:s24] =	ssyncset.done $0x0  }
0x4f: {  	[sflag:s24] =	ssyncadd.s32 $0xFFFFC000  }
0x50: {  	[spmem:s2] =	stream.indirect.scatter.add.f32 [tilespmem:s22], [sflag:$0x3], $0x80, s26, s19, $0xb8;
	[tilespmem:$0x1E400] =	vst v63  }
0x51: {  	_ =	swait.ge [sflag:s16], $0x4000  }
0x52: {  	[sflag:s16] =	ssyncset.done $0x0  }
0x53: {  	s29 =	simm.s32 $0x0;
	[sflag:s16] =	ssyncadd.s32 $0xFFFFC000  }
0x54: {  	[tilespmem:s17], [sflag:$0x3] =	stream.linear.gather [hbm4b:s10+s29], $0x1400, $0x38;
	[tilespmem:$0x1E400] =	vst v63  }
0x55: {  	_ =	swait.ge [sflag:s16], $0x1400  }
0x56: {  	[sflag:s16] =	ssyncset.done $0x0  }
0x57: {  	[sflag:s16] =	ssyncadd.s32 $0xFFFFEC00  }
0x58: {  	[tilespmem:s18], [sflag:$0x3] =	stream.linear.gather [hbm4b:s11+s29], $0x1400, $0x38;
	[tilespmem:$0x1E400] =	vst v63  }
0x59: {  	_ =	swait.ge [sflag:s16], $0x1400  }
0x5a: {  	[sflag:s16] =	ssyncset.done $0x0  }
0x5b: {  	[sflag:s16] =	ssyncadd.s32 $0xFFFFEC00  }
0x5c: {  	[tilespmem:s20], [sflag:$0x1] =	stream.indirect.gather [hbm4b:s1+s19], $0x80, s17, s19, $0xb8;
	[tilespmem:$0x1E400] =	vst v63  }
0x5d: {  	_ = 	snop  }
0x5e: {  	[tilespmem:s22], [sflag:$0x2] =	stream.indirect.gather [hbm4b:s1+s19], $0x80, s21, s19, $0xb8;
	[tilespmem:$0x1E400] =	vst v63  }
0x5f: {  	_ =	swait.ge [sflag:s23], $0x4000  }
0x60: {  	[sflag:s23] =	ssyncset.done $0x0  }
0x61: {  	s29 =	simm.s32 $0x15000;
	[sflag:s23] =	ssyncadd.s32 $0xFFFFC000  }
0x62: {  	[spmem:s2] =	stream.indirect.scatter.add.f32 [tilespmem:s20], [sflag:$0x3], $0x80, s29, s19, $0xb8;
	[tilespmem:$0x1E400] =	vst v63  }
0x63: {  	_ =	swait.ge [sflag:s16], $0x4000  }
0x64: {  	[sflag:s16] =	ssyncset.done $0x0  }
0x65: {  	s29 =	simm.s32 $0x13D00;
	[sflag:s16] =	ssyncadd.s32 $0xFFFFC000  }
0x66: {  	[tilespmem:s20], [sflag:$0x1] =	stream.indirect.gather [hbm4b:s1+s19], $0x80, s29, s19, $0xb8;
	[tilespmem:$0x1E400] =	vst v63  }
0x67: {  	_ =	swait.ge [sflag:s24], $0x4000  }
0x68: {  	[sflag:s24] =	ssyncset.done $0x0  }
0x69: {  	s29 =	simm.s32 $0x15080;
	[sflag:s24] =	ssyncadd.s32 $0xFFFFC000  }
0x6a: {  	[spmem:s2] =	stream.indirect.scatter.add.f32 [tilespmem:s22], [sflag:$0x3], $0x80, s29, s19, $0xb8;
	[tilespmem:$0x1E400] =	vst v63  }
0x6b: {  	_ =	swait.ge [sflag:s16], $0x4000  }
0x6c: {  	[sflag:s16] =	ssyncset.done $0x0  }
0x6d: {  	s30 =	simm.s32 $0x13D80;
	s29 =	simm.s32 $0x400;
	[sflag:s16] =	ssyncadd.s32 $0xFFFFC000  }
.LBB2_4:
0x6e: {  	[tilespmem:s22], [sflag:$0x2] =	stream.indirect.gather [hbm4b:s1+s19], $0x80, s30, s19, $0xb8;
	[tilespmem:$0x1E400] =	vst v63  }
0x6f: {  	s30 =	smov.u32 s29  }
0x70: {  	p1 =	sne.s32 s29, $0x4800;
	s29 =	sadd.s32 $0x400, s29;
	_ =	swait.ge [sflag:s23], $0x4000  }
0x71: {  	s30 =	sshra.s32 s30, $0x2;
	[sflag:s23] =	ssyncset.done $0x0  }
0x72: {  	s31 =	sadd.s32 $0x15000, s30;
	[sflag:s23] =	ssyncadd.s32 $0xFFFFC000  }
0x73: {  	[spmem:s2] =	stream.indirect.scatter.add.f32 [tilespmem:s20], [sflag:$0x3], $0x80, s31, s19, $0xb8;
	[tilespmem:$0x1E400] =	vst v63  }
0x74: {  	_ =	swait.ge [sflag:s16], $0x4000  }
0x75: {  	[sflag:s16] =	ssyncset.done $0x0  }
0x76: {  	s31 =	sadd.s32 $0x13D00, s30;
	[sflag:s16] =	ssyncadd.s32 $0xFFFFC000  }
0x77: {  	[tilespmem:s20], [sflag:$0x1] =	stream.indirect.gather [hbm4b:s1+s19], $0x80, s31, s19, $0xb8;
	[tilespmem:$0x1E400] =	vst v63  }
0x78: {  	_ =	swait.ge [sflag:s24], $0x4000  }
0x79: {  	[sflag:s24] =	ssyncset.done $0x0  }
.Ltmp1:
0x7a: {  	s31 =	sadd.s32 $0x15080, s30;
	[sflag:s24] =	ssyncadd.s32 $0xFFFFC000;
	(pc) =	sbr.rel @p1 .LBB2_4-.Ltmp1, $4  }
0x7b: {  	[spmem:s2] =	stream.indirect.scatter.add.f32 [tilespmem:s22], [sflag:$0x3], $0x80, s31, s19, $0xb8;
	[tilespmem:$0x1E400] =	vst v63  }
0x7c: {  	_ =	swait.ge [sflag:s16], $0x4000  }
0x7d: {  	[sflag:s16] =	ssyncset.done $0x0  }
0x7e: {  	s30 =	sadd.s32 $0x13D80, s30;
	[sflag:s16] =	ssyncadd.s32 $0xFFFFC000  }
0x7f: {  	[tilespmem:s22], [sflag:$0x2] =	stream.indirect.gather [hbm4b:s1+s19], $0x80, s30, s19, $0xb8;
	[tilespmem:$0x1E400] =	vst v63  }
0x80: {  	_ =	swait.ge [sflag:s23], $0x4000  }
0x81: {  	[sflag:s23] =	ssyncset.done $0x0  }
0x82: {  	[sflag:s23] =	ssyncadd.s32 $0xFFFFC000  }
0x83: {  	[spmem:s2] =	stream.indirect.scatter.add.f32 [tilespmem:s20], [sflag:$0x3], $0x80, s25, s19, $0xb8;
	[tilespmem:$0x1E400] =	vst v63  }
0x84: {  	_ =	swait.ge [sflag:s16], $0x4000  }
0x85: {  	[sflag:s16] =	ssyncset.done $0x0  }
0x86: {  	[sflag:s16] =	ssyncadd.s32 $0xFFFFC000  }
0x87: {  	_ =	swait.ge [sflag:s24], $0x4000  }
0x88: {  	[sflag:s24] =	ssyncset.done $0x0  }
0x89: {  	[sflag:s24] =	ssyncadd.s32 $0xFFFFC000  }
0x8a: {  	[spmem:s2] =	stream.indirect.scatter.add.f32 [tilespmem:s22], [sflag:$0x3], $0x80, s26, s19, $0xb8;
	[tilespmem:$0x1E400] =	vst v63  }
0x8b: {  	_ =	swait.ge [sflag:s16], $0x4000  }
0x8c: {  	[sflag:s16] =	ssyncset.done $0x0  }
0x8d: {  	[sflag:s16] =	ssyncadd.s32 $0xFFFFC000  }
0x8e: {  	s29 =	sshrl.u32 @p0 s6, $0x3;
	[bflag:$0x0] =	sbarrier.arrive $0xFFFF  }
0x8f: {  	[hbm:s13], [sflag:s7] =	dma.local @p0 [spmem:s29], $0x2080  }
0x90: {  	s29 =	simm.s32 @p0 $0x3  }
0x91: {  	_ =	swait.ge @p0 [sflag:s29], $0x2080  }
0x92: {  	s28 =	sadd.s32 $0x1, s28;
	[sflag:s29] =	ssyncset.done @p0 $0x0  }
0x93: {  	p1 =	sne.s32 s28, s14;
	[sflag:s29] =	ssyncadd.s32 @p0 $0xFFFFDF80;
	s29 =	sshrl.u32 @!p0 s6, $0x3  }
0x94: {  	[hbm:s12], [sflag:s7] =	dma.local @!p0 [spmem:s29], $0x2780  }
.Ltmp2:
0x95: {  	_ = 	snop;
	(pc) =	sbr.rel @p1 .LBB2_1-.Ltmp2, $4  }
0x96: {  	s29 =	simm.s32 @!p0 $0x3  }
0x97: {  	_ =	swait.ge @!p0 [sflag:s29], $0x2780  }
0x98: {  	[sflag:s29] =	ssyncset.done @!p0 $0x0  }
0x99: {  	[sflag:s29] =	ssyncadd.s32 @!p0 $0xFFFFD880  }
0x9a: {  	_ =	sfence.sel $0x180000  }
0x9b: {  	[bflag:$0x0] =	sbarrier.arrive $0xFFFF  }
0x9c: {  	p0 =	sne.s32 s4, $0x0;
	_ =	strace $0x9000004A  }
0x9d: {  	s0 =	sadd.s32 @!p0 $0x100000, s0;
	[bflag:$0x2] =	sbarrier.arrive $0xFFFF  }
0x9e: {  	[sflag:s0] =	ssyncadd.tile.s32 @!p0 $0x1;
	_ =	shalt  }
.Lfunc_end2:
_tile_overlayer_lowered:
.L_overlay_start_2:
0x9f: {  	(tag) =	ssettag $0x2  }
0xa0: {  	s0 =	rddreg [dreg:$0x0];
	s2 =	stileid.u32  }
0xa1: {  	s1 =	rddreg [dreg:$0x1];
	p0 =	sne.s32 s2, $0x0  }
0xa2: {  	s3 =	rddreg [dreg:$0x2];
	[bflag:$0x3] =	sbarrier.arrive $0xFFFF;
	s2 =	simm.s32 @!p0 $0x1C03  }
0xa3: {  	[timem:s3], [sflag:s2] =	dma.local @!p0 [hbm:s0], s1  }
0xa4: {  	s0 =	simm.s32 @!p0 $0x3  }
0xa5: {  	_ =	swait.ge @!p0 [sflag:s0], s1  }
0xa6: {  	s1 =	ssub.s32 @!p0 $0x0, s1;
	[sflag:s0] =	ssyncset.done @!p0 $0x0  }
0xa7: {  	[sflag:s0] =	ssyncadd.s32 @!p0 s1  }
0xa8: {  	[bflag:$0x3] =	sbarrier.arrive $0xFFFF  }
0xa9: {  	_ =	shalt  }

</sc_bundles>
